<compile_context>
chip_gen: v7x
topology: tpu7x:2x2x1
jax: 0.10.2.dev20260603
libtpu: 0.0.44.dev20260713+nightly
codegen_flags: <defaults>
</compile_context>

<pallas_src>
import jax
import jax.numpy as jnp
from jax import lax
from jax.experimental import pallas as pl
from jax.experimental.pallas import tpu as pltpu
from jax.experimental.pallas import tpu_sc as plsc

NN = 10000
DD = 128
DE = 128
EE = 320000
NPAD = 10240
EPAD = 327680
CHUNK = 128
NCHUNKS = EPAD // CHUNK
NTILES = 16
CPT = NCHUNKS // NTILES
GCH = 16
NGROUPS = CPT // GCH
RPT = NPAD // NTILES

LMIX = 0.5
GAMMA = 1.0
ALPHA = 0.5
BETA = 0.5

BR = 400
BC = 1000
BRC = 1000


def _make_seg_sum(width, do_gather=True):
    mesh = plsc.VectorSubcoreMesh(core_axis_name="c", subcore_axis_name="s")
    out_type = [jax.ShapeDtypeStruct((2 * NPAD, width), jnp.float32)]
    scratch = [
        pltpu.VMEM((GCH, CHUNK), jnp.int32),
        pltpu.VMEM((GCH, CHUNK), jnp.int32),
        pltpu.VMEM((CHUNK, width), jnp.float32),
        pltpu.VMEM_SHARED((NPAD, width), jnp.float32),
        pltpu.SemaphoreType.DMA,
    ]

    def body(tab, src, dst, zf, s_out, idxs_v, idxd_v, rows_v, acc_sh, sem):
        c = lax.axis_index("c")
        s = lax.axis_index("s")
        row0 = s * RPT
        pltpu.sync_copy(zf, rows_v)

        def zero_body(k, carry):
            pltpu.sync_copy(rows_v, acc_sh.at[pl.ds(row0 + k * CHUNK,
                                                    CHUNK)])
            return carry

        lax.fori_loop(0, RPT // CHUNK, zero_body, 0)
        chunk0 = c * NCHUNKS + s * CPT
        plsc.subcore_barrier()
        if not do_gather:
            pltpu.sync_copy(tab.at[pl.ds(0, CHUNK)], rows_v)

        def group_body(g, carry):
            g0 = chunk0 + g * GCH
            if do_gather:
                pltpu.sync_copy(src.at[pl.ds(g0, GCH)], idxs_v)
            pltpu.sync_copy(dst.at[pl.ds(g0, GCH)], idxd_v)

            def chunk_body(j, carry2):
                if do_gather:
                    pltpu.async_copy(tab.at[idxs_v.at[j]], rows_v,
                                     sem).wait()
                pltpu.sync_copy(rows_v, acc_sh.at[idxd_v.at[j]], add=True)
                return carry2

            return lax.fori_loop(0, GCH, chunk_body, carry)

        lax.fori_loop(0, NGROUPS, group_body, 0)
        plsc.subcore_barrier()
        out_row0 = c * NPAD + row0

        def wb_body(k, carry):
            r0 = row0 + k * CHUNK
            pltpu.sync_copy(acc_sh.at[pl.ds(r0, CHUNK)], rows_v)
            pltpu.sync_copy(rows_v, s_out.at[pl.ds(out_row0 + k * CHUNK,
                                                   CHUNK)])
            return carry

        lax.fori_loop(0, RPT // CHUNK, wb_body, 0)

    return pl.kernel(body, mesh=mesh, out_type=out_type,
                     scratch_types=scratch)


_seg_sum_cache = {}


def _get_seg_sum(width, do_gather=True):
    key = (width, do_gather)
    if key not in _seg_sum_cache:
        _seg_sum_cache[key] = _make_seg_sum(width, do_gather)
    return _seg_sum_cache[key]


def _encoder_body(x_ref, w_ref, b_ref, o_ref):
    y = jnp.dot(x_ref[0], w_ref[0], preferred_element_type=jnp.float32)
    y = jnp.maximum(y + b_ref[0], 0.0)
    nrm = jnp.sqrt(jnp.sum(y * y, axis=1, keepdims=True))
    o_ref[0] = y / jnp.maximum(nrm, 1e-12)


def _combine1_body(s_ref, d_ref, o_ref):
    deg = jnp.maximum(d_ref[0][:, :1], 1.0)
    o_ref[0] = s_ref[0] / deg


def _combine2_body(n1_ref, s2_ref, d_ref, o_ref):
    deg = jnp.maximum(d_ref[0][:, :1], 1.0)
    o_ref[0] = LMIX * n1_ref[0] + (1.0 - LMIX) * (s2_ref[0] / deg)


def _denom_body(a_ref, b0_ref, b1_ref, o_ref):
    j = pl.program_id(1)
    a = a_ref[0]
    dn = (((1,), (1,)), ((), ()))
    s0 = jnp.exp(lax.dot_general(a, b0_ref[0], dn,
                                 preferred_element_type=jnp.float32))
    s1 = jnp.exp(lax.dot_general(a, b1_ref[0], dn,
                                 preferred_element_type=jnp.float32))
    part = (jnp.sum(s0, axis=1, keepdims=True)
            + jnp.sum(s1, axis=1, keepdims=True))

    @pl.when(j == 0)
    def _():
        o_ref[...] = part

    @pl.when(j != 0)
    def _():
        o_ref[...] += part


def _softplus(x):
    return jnp.maximum(x, 0.0) + jnp.log(1.0 + jnp.exp(-jnp.abs(x)))


def _final_body(he_ref, hep_ref, me_ref, mep_ref, den_ref, o_ref):
    outs = []
    for c in range(2):
        hec = he_ref[c]
        mec = me_ref[c]
        hprev = jnp.concatenate([hep_ref[c, BR - 1:, :], hec[:-1]], axis=0)
        mprev = jnp.concatenate([mep_ref[c, BR - 1:, :], mec[:-1]], axis=0)
        pos = jnp.sum(hec * mec, axis=1)
        neg = jnp.sum(hec * mprev, axis=1)
        negn = jnp.sum(hec * hprev, axis=1)
        outs.append(jnp.sum(_softplus(-pos)))
        outs.append(jnp.sum(_softplus(neg)))
        outs.append(jnp.sum(_softplus(negn)))
    posscore = jnp.sum(me_ref[0] * me_ref[1], axis=1)
    outs.append(jnp.sum(jnp.log(den_ref[:, 0]) - posscore))
    outs.append(outs[0] * 0.0)
    for k, v in enumerate(outs):
        o_ref[0, k, :] = jnp.full((DD,), 0.0, jnp.float32) + v


def kernel(h, h_hat, edge_index, edge_index_hat, W1, b1, W2, b2):
    f32 = jnp.float32
    ni = NN // BR

    hs = jnp.stack([h, h_hat])
    Ws = jnp.stack([W1, W2])
    bs = jnp.stack([b1, b2]).reshape(2, 1, DD)

    pad = EPAD - EE
    pad_src = jnp.zeros((pad,), jnp.int32)
    pad_dst = jnp.full((pad,), NN, jnp.int32)
    src0 = jnp.concatenate([edge_index[0], pad_src])
    dst0 = jnp.concatenate([edge_index[1], pad_dst])
    src1 = jnp.concatenate([edge_index_hat[0] + NN, pad_src + NN])
    dst1 = jnp.concatenate([edge_index_hat[1], pad_dst])
    src_all = jnp.concatenate([src0, src1]).reshape(2 * NCHUNKS, CHUNK)
    dst_all = jnp.concatenate([dst0, dst1]).reshape(2 * NCHUNKS, CHUNK)

    zf = jnp.zeros((CHUNK, DD), f32)
    ones_tab = jnp.ones((CHUNK, DD), f32)

    he = pl.pallas_call(
        _encoder_body,
        grid=(2, ni),
        in_specs=[pl.BlockSpec((1, BR, DD), lambda c, i: (c, i, 0)),
                  pl.BlockSpec((1, DD, DD), lambda c, i: (c, 0, 0)),
                  pl.BlockSpec((1, 1, DD), lambda c, i: (c, 0, 0))],
        out_specs=pl.BlockSpec((1, BR, DD), lambda c, i: (c, i, 0)),
        out_shape=jax.ShapeDtypeStruct((2, NN, DD), f32),
    )(hs, Ws, bs)

    (degs,) = _get_seg_sum(DD, do_gather=False)(ones_tab, src_all, dst_all,
                                                zf)
    degs = degs.reshape(2, NPAD, DD)

    (s1,) = _get_seg_sum(DD)(he.reshape(2 * NN, DD), src_all, dst_all, zf)
    s1 = s1.reshape(2, NPAD, DD)

    neigh1 = pl.pallas_call(
        _combine1_body,
        grid=(2, ni),
        in_specs=[pl.BlockSpec((1, BR, DD), lambda c, i: (c, i, 0)),
                  pl.BlockSpec((1, BR, DD), lambda c, i: (c, i, 0))],
        out_specs=pl.BlockSpec((1, BR, DD), lambda c, i: (c, i, 0)),
        out_shape=jax.ShapeDtypeStruct((2, NN, DD), f32),
    )(s1, degs)

    (s2,) = _get_seg_sum(DD)(neigh1.reshape(2 * NN, DD), src_all, dst_all,
                             zf)
    s2 = s2.reshape(2, NPAD, DD)

    mean = pl.pallas_call(
        _combine2_body,
        grid=(2, ni),
        in_specs=[pl.BlockSpec((1, BR, DD), lambda c, i: (c, i, 0)),
                  pl.BlockSpec((1, BR, DD), lambda c, i: (c, i, 0)),
                  pl.BlockSpec((1, BR, DD), lambda c, i: (c, i, 0))],
        out_specs=pl.BlockSpec((1, BR, DD), lambda c, i: (c, i, 0)),
        out_shape=jax.ShapeDtypeStruct((2, NN, DD), f32),
    )(neigh1, s2, degs)

    den = pl.pallas_call(
        _denom_body,
        grid=(NN // BRC, NN // BC),
        in_specs=[pl.BlockSpec((1, BRC, DD), lambda i, j: (0, i, 0)),
                  pl.BlockSpec((1, BC, DD), lambda i, j: (0, j, 0)),
                  pl.BlockSpec((1, BC, DD), lambda i, j: (1, j, 0))],
        out_specs=pl.BlockSpec((BRC, 1), lambda i, j: (i, 0)),
        out_shape=jax.ShapeDtypeStruct((NN, 1), f32),
    )(mean, mean, mean)

    prev = lambda i: (i + ni - 1) % ni
    parts = pl.pallas_call(
        _final_body,
        grid=(ni,),
        in_specs=[pl.BlockSpec((2, BR, DD), lambda i: (0, i, 0)),
                  pl.BlockSpec((2, BR, DD), lambda i: (0, prev(i), 0)),
                  pl.BlockSpec((2, BR, DD), lambda i: (0, i, 0)),
                  pl.BlockSpec((2, BR, DD), lambda i: (0, prev(i), 0)),
                  pl.BlockSpec((BR, 1), lambda i: (i, 0))],
        out_specs=pl.BlockSpec((1, 8, DD), lambda i: (i, 0, 0)),
        out_shape=jax.ShapeDtypeStruct((ni, 8, DD), f32),
    )(he, he, mean, mean, den)

    S = jnp.sum(parts[:, :, 0], axis=0)
    nf = float(NN)
    l1, l2, l2n = S[0] / nf, S[1] / nf, S[2] / nf
    l1h, l2h, l2nh = S[3] / nf, S[4] / nf, S[5] / nf
    loss_sup = S[6] / (2.0 * nf)
    l_ns = ALPHA * (l1 + l2) + (1.0 - ALPHA) * (l1h + l2h)
    l_nn = ALPHA * (l1 + l2n) + (1.0 - ALPHA) * (l1h + l2nh)
    total = (BETA * l_ns + (1.0 - BETA) * l_nn + GAMMA * loss_sup) \
        / ((GAMMA + 1.0) / 2.0)
    return (total, l1, l2)

# --- scband reference (transcript-rebuilt; emitter-appended) ---
"""Pipeline reference for scband-local-model-47004122087897 (READ-ONLY COPY).

The authoritative reference and input builder live on the scoring server;
editing this copy changes nothing except your own understanding.
"""

import jax, jax.numpy as jnp
import numpy as np

N = 10000
D_IN = 128
D_OUT = 128
E = 320000
L = 0.5
GAMMA = 1.0
ALPHA = 0.5
BETA = 0.5


def _l2_normalize(x, eps=1e-12):
    nrm = jnp.sqrt(jnp.sum(x * x, axis=1, keepdims=True))
    return x / jnp.maximum(nrm, eps)


def _mean_neighbors(h, src, dst, n):
    s = jax.ops.segment_sum(h[src], dst, num_segments=n)
    deg = jax.ops.segment_sum(jnp.ones((src.shape[0], 1), h.dtype), dst, num_segments=n)
    return s / jnp.maximum(deg, 1.0)


def _mean_agg(h, edge_index, l):
    src = edge_index[0]
    dst = edge_index[1]
    n = h.shape[0]
    neigh1 = _mean_neighbors(h, src, dst, n)
    neigh2 = _mean_neighbors(neigh1, src, dst, n)
    return l * neigh1 + (1.0 - l) * neigh2


def _bce_with_logits_ones(x):
    return jnp.mean(jax.nn.softplus(-x))


def _bce_with_logits_zeros(x):
    return jnp.mean(jax.nn.softplus(x))


def setup_inputs(seed: int = 0):
    key = jax.random.key(seed)
    ks = jax.random.split(key, 8)
    h = jax.random.normal(ks[0], (N, D_IN), dtype=jnp.float32)
    h_hat = jax.random.normal(ks[1], (N, D_IN), dtype=jnp.float32)
    edge_index = jax.random.randint(ks[2], (2, E), 0, N, dtype=jnp.int32)
    edge_index_hat = jax.random.randint(ks[3], (2, E), 0, N, dtype=jnp.int32)
    scale = 1.0 / np.sqrt(D_IN)
    W1 = jax.random.uniform(ks[4], (D_IN, D_OUT), jnp.float32, -scale, scale)
    b1 = jnp.zeros((D_OUT,), jnp.float32)
    W2 = jax.random.uniform(ks[5], (D_IN, D_OUT), jnp.float32, -scale, scale)
    b2 = jnp.zeros((D_OUT,), jnp.float32)
    return {"h": h, "h_hat": h_hat, "edge_index": edge_index, "edge_index_hat": edge_index_hat,
            "W1": W1, "b1": b1, "W2": W2, "b2": b2}


def reference(h, h_hat, edge_index, edge_index_hat, W1, b1, W2, b2):
    # Encoder_local on original graph
    he = _l2_normalize(jax.nn.relu(h @ W1 + b1))
    mean_h = _mean_agg(he, edge_index, L)
    # Encoder_local on corrupted/hat graph
    he_hat = _l2_normalize(jax.nn.relu(h_hat @ W2 + b2))
    mean_h_hat = _mean_agg(he_hat, edge_index_hat, L)

    n = he.shape[0]
    # deterministic negative index sampling (stands in for idx_sample shuffle)
    neg_idx = jnp.roll(jnp.arange(n), 1)

    pos = jnp.sum(he * mean_h, axis=1)
    neg_neigh_h = mean_h[neg_idx]
    neg = jnp.sum(he * neg_neigh_h, axis=1)
    neg_node_h = he[neg_idx]
    neg_node = jnp.sum(he * neg_node_h, axis=1)

    pos_hat = jnp.sum(he_hat * mean_h_hat, axis=1)
    neg_neigh_h_hat = mean_h_hat[neg_idx]
    neg_hat = jnp.sum(he_hat * neg_neigh_h_hat, axis=1)
    neg_node_h_hat = he_hat[neg_idx]
    neg_node_hat = jnp.sum(he_hat * neg_node_h_hat, axis=1)

    l1 = _bce_with_logits_ones(pos)
    l2 = _bce_with_logits_zeros(neg)
    l1_hat = _bce_with_logits_ones(pos_hat)
    l2_hat = _bce_with_logits_zeros(neg_hat)
    l1_node = _bce_with_logits_ones(pos)
    l2_node = _bce_with_logits_zeros(neg_node)
    l1_node_hat = _bce_with_logits_ones(pos_hat)
    l2_node_hat = _bce_with_logits_zeros(neg_node_hat)

    batch_size = n
    positive_score = jnp.sum(mean_h * mean_h_hat, axis=1)
    negative_score_1 = mean_h @ neg_neigh_h.T
    negative_score_2 = mean_h @ neg_neigh_h_hat.T
    exp_positive_score = jnp.exp(positive_score)
    denominator = jnp.exp(negative_score_1).sum(axis=1) + jnp.exp(negative_score_2).sum(axis=1)
    loss_sup = -jnp.log(exp_positive_score / denominator)
    loss_sup = loss_sup.sum() / (2 * batch_size)

    l_ns = ALPHA * (l1 + l2) + (1 - ALPHA) * (l1_hat + l2_hat)
    l_nn = ALPHA * (l1_node + l2_node) + (1 - ALPHA) * (l1_node_hat + l2_node_hat)
    total = (BETA * l_ns + (1 - BETA) * l_nn + GAMMA * loss_sup) / ((GAMMA + 1) / 2)
    return (total, l1, l2)

if __name__ == "__main__":
    import jax
    _d = setup_inputs()
    print(jax.jit(kernel)(*tuple(_d.values())))

</pallas_src>

<mosaic_0001>
#map = affine_map<(d0, d1) -> (0, 0)>
module attributes {stable_mosaic.version = 14 : i64} {
  func.func @body(%arg0: i32, %arg1: i32, %arg2: memref<20000x128xf32, #tpu.memory_space<hbm>>, %arg3: memref<5120x128xi32, #tpu.memory_space<hbm>>, %arg4: memref<5120x128xi32, #tpu.memory_space<hbm>>, %arg5: memref<128x128xf32, #tpu.memory_space<hbm>>, %arg6: memref<20480x128xf32, #tpu.memory_space<hbm>>, %arg7: memref<16x128xi32, #tpu.memory_space<vmem>>, %arg8: memref<16x128xi32, #tpu.memory_space<vmem>>, %arg9: memref<128x128xf32, #tpu.memory_space<vmem>>, %arg10: memref<10240x128xf32, #tpu.memory_space<vmem_shared>>, %arg11: memref<!tpu.dma_semaphore, #tpu.memory_space<semaphore_mem>>) attributes {dimension_semantics = [#tpu.dimension_semantics<core_parallel>, #tpu.dimension_semantics<subcore_parallel>], iteration_bounds = array<i64: 2, 16>, scalar_prefetch = 0 : i64, scratch_operands = 5 : i64, tpu.core_type = #tpu.core_type<sc_vector_subcore>, window_params = [{transform_indices = #map}, {transform_indices = #map}, {transform_indices = #map}, {transform_indices = #map}, {transform_indices = #map}]} {
    %mul3A = arith.constant 640 : i32
    %mul3A_0 = arith.muli %arg1, %mul3A : i32
    "tpu.region"() ({
      %run_scoped3A = tpu.sem_alloc : memref<!tpu.dma_semaphore, #tpu.memory_space<semaphore_mem>>
      tpu.enqueue_dma source(%arg5 : memref<128x128xf32, #tpu.memory_space<hbm>>) target(%arg9 : memref<128x128xf32, #tpu.memory_space<vmem>>) target_semaphore(%run_scoped3A : memref<!tpu.dma_semaphore, #tpu.memory_space<semaphore_mem>>)
      tpu.wait_dma2 semaphore(%run_scoped3A : memref<!tpu.dma_semaphore, #tpu.memory_space<semaphore_mem>>) src(%arg5 : memref<128x128xf32, #tpu.memory_space<hbm>>) dst(%arg9 : memref<128x128xf32, #tpu.memory_space<vmem>>)
      tpu.yield
    }) : () -> ()
    %scan3A = arith.constant 0 : i32
    %scan3A_1 = arith.constant 0 : i32
    %scan3A_2 = arith.constant 5 : i32
    %scan3A_3 = arith.addi %scan3A_1, %scan3A_2 : i32
    %scan3A_4 = arith.constant 1 : i32
    scf.for %scan3A_26 = %scan3A_1 to %scan3A_3 step %scan3A_4  : i32 {
      %mul3A_27 = arith.constant 128 : i32
      %mul3A_28 = arith.muli %scan3A_26, %mul3A_27 : i32
      %add3A_29 = arith.addi %mul3A_0, %mul3A_28 : i32
      "tpu.region"() ({
        %run_scoped3A = tpu.sem_alloc : memref<!tpu.dma_semaphore, #tpu.memory_space<semaphore_mem>>
        %dma_start3A = arith.constant 0 : i32
        %dma_start3A_30 = tpu.memref_slice %arg10[%add3A_29, %dma_start3A] : memref<10240x128xf32, #tpu.memory_space<vmem_shared>> -> memref<128x128xf32, #tpu.memory_space<vmem_shared>>
        %dma_start3A_31 = arith.constant 0 : i32
        %dma_start3A_32 = tpu.memref_slice %arg10[%add3A_29, %dma_start3A_31] : memref<10240x128xf32, #tpu.memory_space<vmem_shared>> -> memref<128x128xf32, #tpu.memory_space<vmem_shared>>
        tpu.enqueue_dma source(%arg9 : memref<128x128xf32, #tpu.memory_space<vmem>>) target(%dma_start3A_32 : memref<128x128xf32, #tpu.memory_space<vmem_shared>>) target_semaphore(%run_scoped3A : memref<!tpu.dma_semaphore, #tpu.memory_space<semaphore_mem>>)
        %dma_wait3A = arith.constant 0 : i32
        %dma_wait3A_33 = tpu.memref_slice %arg10[%add3A_29, %dma_wait3A] : memref<10240x128xf32, #tpu.memory_space<vmem_shared>> -> memref<128x128xf32, #tpu.memory_space<vmem_shared>>
        %dma_wait3A_34 = arith.constant 0 : i32
        %dma_wait3A_35 = tpu.memref_slice %arg10[%add3A_29, %dma_wait3A_34] : memref<10240x128xf32, #tpu.memory_space<vmem_shared>> -> memref<128x128xf32, #tpu.memory_space<vmem_shared>>
        tpu.wait_dma2 semaphore(%run_scoped3A : memref<!tpu.dma_semaphore, #tpu.memory_space<semaphore_mem>>) src(%arg9 : memref<128x128xf32, #tpu.memory_space<vmem>>) dst(%dma_wait3A_35 : memref<128x128xf32, #tpu.memory_space<vmem_shared>>)
        tpu.yield
      }) : () -> ()
    }
    %scan3A_5 = arith.constant 5 : i32
    %mul3A_6 = arith.constant 2560 : i32
    %mul3A_7 = arith.muli %arg0, %mul3A_6 : i32
    %mul3A_8 = arith.constant 160 : i32
    %mul3A_9 = arith.muli %arg1, %mul3A_8 : i32
    %add3A = arith.addi %mul3A_7, %mul3A_9 : i32
    %barrier3A = arith.constant 0 : index
    tpu.barrier barrier_id(%barrier3A)
    %scan3A_10 = arith.constant 0 : i32
    %scan3A_11 = arith.constant 0 : i32
    %scan3A_12 = arith.constant 10 : i32
    %scan3A_13 = arith.addi %scan3A_11, %scan3A_12 : i32
    %scan3A_14 = arith.constant 1 : i32
    scf.for %scan3A_26 = %scan3A_11 to %scan3A_13 step %scan3A_14  : i32 {
      %mul3A_27 = arith.constant 16 : i32
      %mul3A_28 = arith.muli %scan3A_26, %mul3A_27 : i32
      %add3A_29 = arith.addi %add3A, %mul3A_28 : i32
      "tpu.region"() ({
        %run_scoped3A = tpu.sem_alloc : memref<!tpu.dma_semaphore, #tpu.memory_space<semaphore_mem>>
        %dma_start3A = arith.constant 0 : i32
        %dma_start3A_35 = tpu.memref_slice %arg3[%add3A_29, %dma_start3A] : memref<5120x128xi32, #tpu.memory_space<hbm>> -> memref<16x128xi32, #tpu.memory_space<hbm>>
        %dma_start3A_36 = arith.constant 0 : i32
        %dma_start3A_37 = tpu.memref_slice %arg3[%add3A_29, %dma_start3A_36] : memref<5120x128xi32, #tpu.memory_space<hbm>> -> memref<16x128xi32, #tpu.memory_space<hbm>>
        tpu.enqueue_dma source(%dma_start3A_37 : memref<16x128xi32, #tpu.memory_space<hbm>>) target(%arg7 : memref<16x128xi32, #tpu.memory_space<vmem>>) target_semaphore(%run_scoped3A : memref<!tpu.dma_semaphore, #tpu.memory_space<semaphore_mem>>)
        %dma_wait3A = arith.constant 0 : i32
        %dma_wait3A_38 = tpu.memref_slice %arg3[%add3A_29, %dma_wait3A] : memref<5120x128xi32, #tpu.memory_space<hbm>> -> memref<16x128xi32, #tpu.memory_space<hbm>>
        %dma_wait3A_39 = arith.constant 0 : i32
        %dma_wait3A_40 = tpu.memref_slice %arg3[%add3A_29, %dma_wait3A_39] : memref<5120x128xi32, #tpu.memory_space<hbm>> -> memref<16x128xi32, #tpu.memory_space<hbm>>
        tpu.wait_dma2 semaphore(%run_scoped3A : memref<!tpu.dma_semaphore, #tpu.memory_space<semaphore_mem>>) src(%dma_wait3A_40 : memref<16x128xi32, #tpu.memory_space<hbm>>) dst(%arg7 : memref<16x128xi32, #tpu.memory_space<vmem>>)
        tpu.yield
      }) : () -> ()
      "tpu.region"() ({
        %run_scoped3A = tpu.sem_alloc : memref<!tpu.dma_semaphore, #tpu.memory_space<semaphore_mem>>
        %dma_start3A = arith.constant 0 : i32
        %dma_start3A_35 = tpu.memref_slice %arg4[%add3A_29, %dma_start3A] : memref<5120x128xi32, #tpu.memory_space<hbm>> -> memref<16x128xi32, #tpu.memory_space<hbm>>
        %dma_start3A_36 = arith.constant 0 : i32
        %dma_start3A_37 = tpu.memref_slice %arg4[%add3A_29, %dma_start3A_36] : memref<5120x128xi32, #tpu.memory_space<hbm>> -> memref<16x128xi32, #tpu.memory_space<hbm>>
        tpu.enqueue_dma source(%dma_start3A_37 : memref<16x128xi32, #tpu.memory_space<hbm>>) target(%arg8 : memref<16x128xi32, #tpu.memory_space<vmem>>) target_semaphore(%run_scoped3A : memref<!tpu.dma_semaphore, #tpu.memory_space<semaphore_mem>>)
        %dma_wait3A = arith.constant 0 : i32
        %dma_wait3A_38 = tpu.memref_slice %arg4[%add3A_29, %dma_wait3A] : memref<5120x128xi32, #tpu.memory_space<hbm>> -> memref<16x128xi32, #tpu.memory_space<hbm>>
        %dma_wait3A_39 = arith.constant 0 : i32
        %dma_wait3A_40 = tpu.memref_slice %arg4[%add3A_29, %dma_wait3A_39] : memref<5120x128xi32, #tpu.memory_space<hbm>> -> memref<16x128xi32, #tpu.memory_space<hbm>>
        tpu.wait_dma2 semaphore(%run_scoped3A : memref<!tpu.dma_semaphore, #tpu.memory_space<semaphore_mem>>) src(%dma_wait3A_40 : memref<16x128xi32, #tpu.memory_space<hbm>>) dst(%arg8 : memref<16x128xi32, #tpu.memory_space<vmem>>)
        tpu.yield
      }) : () -> ()
      %scan3A_30 = arith.constant 0 : i32
      %scan3A_31 = arith.constant 16 : i32
      %scan3A_32 = arith.addi %scan3A_30, %scan3A_31 : i32
      %scan3A_33 = arith.constant 1 : i32
      scf.for %scan3A_35 = %scan3A_30 to %scan3A_32 step %scan3A_33  : i32 {
        %dma_start3A = arith.constant 0 : i32
        %dma_start3A_36 = tpu.memref_slice %arg7[%scan3A_35, %dma_start3A] : memref<16x128xi32, #tpu.memory_space<vmem>> -> memref<1x128xi32, #tpu.memory_space<vmem>>
        %dma_start3A_37 = tpu.memref_squeeze %dma_start3A_36 : memref<1x128xi32, #tpu.memory_space<vmem>> -> memref<128xi32, #tpu.memory_space<vmem>>
        %dma_start3A_38 = arith.constant 0 : i32
        %dma_start3A_39 = arith.constant 0 : i32
        %dma_start3A_40 = tpu.memref_slice %arg2[%dma_start3A_38, %dma_start3A_39] : memref<20000x128xf32, #tpu.memory_space<hbm>> -> memref<20000x128xf32, #tpu.memory_space<hbm>>
        tpu.enqueue_indirect_dma source(%dma_start3A_40 : memref<20000x128xf32, #tpu.memory_space<hbm>>) target(%arg9 : memref<128x128xf32, #tpu.memory_space<vmem>>) offsets(%dma_start3A_37 : memref<128xi32, #tpu.memory_space<vmem>>) semaphore(%arg11 : memref<!tpu.dma_semaphore, #tpu.memory_space<semaphore_mem>>)
        %dma_wait3A = arith.constant 0 : i32
        %dma_wait3A_41 = tpu.memref_slice %arg7[%scan3A_35, %dma_wait3A] : memref<16x128xi32, #tpu.memory_space<vmem>> -> memref<1x128xi32, #tpu.memory_space<vmem>>
        %dma_wait3A_42 = tpu.memref_squeeze %dma_wait3A_41 : memref<1x128xi32, #tpu.memory_space<vmem>> -> memref<128xi32, #tpu.memory_space<vmem>>
        %dma_wait3A_43 = arith.constant 0 : i32
        %dma_wait3A_44 = arith.constant 0 : i32
        %dma_wait3A_45 = tpu.memref_slice %arg2[%dma_wait3A_43, %dma_wait3A_44] : memref<20000x128xf32, #tpu.memory_space<hbm>> -> memref<20000x128xf32, #tpu.memory_space<hbm>>
        tpu.wait_indirect_dma semaphore(%arg11 : memref<!tpu.dma_semaphore, #tpu.memory_space<semaphore_mem>>) src(%dma_wait3A_45 : memref<20000x128xf32, #tpu.memory_space<hbm>>) dst(%arg9 : memref<128x128xf32, #tpu.memory_space<vmem>>)
        "tpu.region"() ({
          %run_scoped3A = tpu.sem_alloc : memref<!tpu.dma_semaphore, #tpu.memory_space<semaphore_mem>>
          %dma_start3A_46 = arith.constant 0 : i32
          %dma_start3A_47 = tpu.memref_slice %arg8[%scan3A_35, %dma_start3A_46] : memref<16x128xi32, #tpu.memory_space<vmem>> -> memref<1x128xi32, #tpu.memory_space<vmem>>
          %dma_start3A_48 = tpu.memref_squeeze %dma_start3A_47 : memref<1x128xi32, #tpu.memory_space<vmem>> -> memref<128xi32, #tpu.memory_space<vmem>>
          %dma_start3A_49 = arith.constant 0 : i32
          %dma_start3A_50 = arith.constant 0 : i32
          %dma_start3A_51 = tpu.memref_slice %arg10[%dma_start3A_49, %dma_start3A_50] : memref<10240x128xf32, #tpu.memory_space<vmem_shared>> -> memref<10240x128xf32, #tpu.memory_space<vmem_shared>>
          tpu.enqueue_indirect_dma source(%arg9 : memref<128x128xf32, #tpu.memory_space<vmem>>) target(%dma_start3A_51 : memref<10240x128xf32, #tpu.memory_space<vmem_shared>>) offsets(%dma_start3A_48 : memref<128xi32, #tpu.memory_space<vmem>>) semaphore(%run_scoped3A : memref<!tpu.dma_semaphore, #tpu.memory_space<semaphore_mem>>) {add = true}
          %dma_wait3A_52 = arith.constant 0 : i32
          %dma_wait3A_53 = tpu.memref_slice %arg8[%scan3A_35, %dma_wait3A_52] : memref<16x128xi32, #tpu.memory_space<vmem>> -> memref<1x128xi32, #tpu.memory_space<vmem>>
          %dma_wait3A_54 = tpu.memref_squeeze %dma_wait3A_53 : memref<1x128xi32, #tpu.memory_space<vmem>> -> memref<128xi32, #tpu.memory_space<vmem>>
          %dma_wait3A_55 = arith.constant 0 : i32
          %dma_wait3A_56 = arith.constant 0 : i32
          %dma_wait3A_57 = tpu.memref_slice %arg10[%dma_wait3A_55, %dma_wait3A_56] : memref<10240x128xf32, #tpu.memory_space<vmem_shared>> -> memref<10240x128xf32, #tpu.memory_space<vmem_shared>>
          tpu.wait_indirect_dma semaphore(%run_scoped3A : memref<!tpu.dma_semaphore, #tpu.memory_space<semaphore_mem>>) src(%arg9 : memref<128x128xf32, #tpu.memory_space<vmem>>) dst(%dma_wait3A_57 : memref<10240x128xf32, #tpu.memory_space<vmem_shared>>)
          tpu.yield
        }) : () -> ()
      }
      %scan3A_34 = arith.constant 16 : i32
    }
    %scan3A_15 = arith.constant 10 : i32
    %barrier3A_16 = arith.constant 0 : index
    tpu.barrier barrier_id(%barrier3A_16)
    %mul3A_17 = arith.constant 10240 : i32
    %mul3A_18 = arith.muli %arg0, %mul3A_17 : i32
    %add3A_19 = arith.addi %mul3A_18, %mul3A_0 : i32
    %scan3A_20 = arith.constant 0 : i32
    %scan3A_21 = arith.constant 0 : i32
    %scan3A_22 = arith.constant 5 : i32
    %scan3A_23 = arith.addi %scan3A_21, %scan3A_22 : i32
    %scan3A_24 = arith.constant 1 : i32
    scf.for %scan3A_26 = %scan3A_21 to %scan3A_23 step %scan3A_24  : i32 {
      %mul3A_27 = arith.constant 128 : i32
      %mul3A_28 = arith.muli %scan3A_26, %mul3A_27 : i32
      %add3A_29 = arith.addi %mul3A_0, %mul3A_28 : i32
      "tpu.region"() ({
        %run_scoped3A = tpu.sem_alloc : memref<!tpu.dma_semaphore, #tpu.memory_space<semaphore_mem>>
        %dma_start3A = arith.constant 0 : i32
        %dma_start3A_33 = tpu.memref_slice %arg10[%add3A_29, %dma_start3A] : memref<10240x128xf32, #tpu.memory_space<vmem_shared>> -> memref<128x128xf32, #tpu.memory_space<vmem_shared>>
        %dma_start3A_34 = arith.constant 0 : i32
        %dma_start3A_35 = tpu.memref_slice %arg10[%add3A_29, %dma_start3A_34] : memref<10240x128xf32, #tpu.memory_space<vmem_shared>> -> memref<128x128xf32, #tpu.memory_space<vmem_shared>>
        tpu.enqueue_dma source(%dma_start3A_35 : memref<128x128xf32, #tpu.memory_space<vmem_shared>>) target(%arg9 : memref<128x128xf32, #tpu.memory_space<vmem>>) target_semaphore(%run_scoped3A : memref<!tpu.dma_semaphore, #tpu.memory_space<semaphore_mem>>)
        %dma_wait3A = arith.constant 0 : i32
        %dma_wait3A_36 = tpu.memref_slice %arg10[%add3A_29, %dma_wait3A] : memref<10240x128xf32, #tpu.memory_space<vmem_shared>> -> memref<128x128xf32, #tpu.memory_space<vmem_shared>>
        %dma_wait3A_37 = arith.constant 0 : i32
        %dma_wait3A_38 = tpu.memref_slice %arg10[%add3A_29, %dma_wait3A_37] : memref<10240x128xf32, #tpu.memory_space<vmem_shared>> -> memref<128x128xf32, #tpu.memory_space<vmem_shared>>
        tpu.wait_dma2 semaphore(%run_scoped3A : memref<!tpu.dma_semaphore, #tpu.memory_space<semaphore_mem>>) src(%dma_wait3A_38 : memref<128x128xf32, #tpu.memory_space<vmem_shared>>) dst(%arg9 : memref<128x128xf32, #tpu.memory_space<vmem>>)
        tpu.yield
      }) : () -> ()
      %mul3A_30 = arith.constant 128 : i32
      %mul3A_31 = arith.muli %scan3A_26, %mul3A_30 : i32
      %add3A_32 = arith.addi %add3A_19, %mul3A_31 : i32
      "tpu.region"() ({
        %run_scoped3A = tpu.sem_alloc : memref<!tpu.dma_semaphore, #tpu.memory_space<semaphore_mem>>
        %dma_start3A = arith.constant 0 : i32
        %dma_start3A_33 = tpu.memref_slice %arg6[%add3A_32, %dma_start3A] : memref<20480x128xf32, #tpu.memory_space<hbm>> -> memref<128x128xf32, #tpu.memory_space<hbm>>
        %dma_start3A_34 = arith.constant 0 : i32
        %dma_start3A_35 = tpu.memref_slice %arg6[%add3A_32, %dma_start3A_34] : memref<20480x128xf32, #tpu.memory_space<hbm>> -> memref<128x128xf32, #tpu.memory_space<hbm>>
        tpu.enqueue_dma source(%arg9 : memref<128x128xf32, #tpu.memory_space<vmem>>) target(%dma_start3A_35 : memref<128x128xf32, #tpu.memory_space<hbm>>) target_semaphore(%run_scoped3A : memref<!tpu.dma_semaphore, #tpu.memory_space<semaphore_mem>>)
        %dma_wait3A = arith.constant 0 : i32
        %dma_wait3A_36 = tpu.memref_slice %arg6[%add3A_32, %dma_wait3A] : memref<20480x128xf32, #tpu.memory_space<hbm>> -> memref<128x128xf32, #tpu.memory_space<hbm>>
        %dma_wait3A_37 = arith.constant 0 : i32
        %dma_wait3A_38 = tpu.memref_slice %arg6[%add3A_32, %dma_wait3A_37] : memref<20480x128xf32, #tpu.memory_space<hbm>> -> memref<128x128xf32, #tpu.memory_space<hbm>>
        tpu.wait_dma2 semaphore(%run_scoped3A : memref<!tpu.dma_semaphore, #tpu.memory_space<semaphore_mem>>) src(%arg9 : memref<128x128xf32, #tpu.memory_space<vmem>>) dst(%dma_wait3A_38 : memref<128x128xf32, #tpu.memory_space<hbm>>)
        tpu.yield
      }) : () -> ()
    }
    %scan3A_25 = arith.constant 5 : i32
    return
  }
}

#map = affine_map<(d0, d1) -> (0, 0)>
module attributes {stable_mosaic.version = 14 : i64} {
  func.func @body(%arg0: i32, %arg1: i32, %arg2: memref<20000x128xf32, #tpu.memory_space<hbm>>, %arg3: memref<5120x128xi32, #tpu.memory_space<hbm>>, %arg4: memref<5120x128xi32, #tpu.memory_space<hbm>>, %arg5: memref<128x128xf32, #tpu.memory_space<hbm>>, %arg6: memref<20480x128xf32, #tpu.memory_space<hbm>>, %arg7: memref<16x128xi32, #tpu.memory_space<vmem>>, %arg8: memref<16x128xi32, #tpu.memory_space<vmem>>, %arg9: memref<128x128xf32, #tpu.memory_space<vmem>>, %arg10: memref<10240x128xf32, #tpu.memory_space<vmem_shared>>, %arg11: memref<!tpu.dma_semaphore, #tpu.memory_space<semaphore_mem>>) attributes {dimension_semantics = [#tpu.dimension_semantics<core_parallel>, #tpu.dimension_semantics<subcore_parallel>], iteration_bounds = array<i64: 2, 16>, scalar_prefetch = 0 : i64, scratch_operands = 5 : i64, tpu.core_type = #tpu.core_type<sc_vector_subcore>, window_params = [{transform_indices = #map}, {transform_indices = #map}, {transform_indices = #map}, {transform_indices = #map}, {transform_indices = #map}]} {
    %mul3A = arith.constant 640 : i32
    %mul3A_0 = arith.muli %arg1, %mul3A : i32
    "tpu.region"() ({
      %run_scoped3A = tpu.sem_alloc : memref<!tpu.dma_semaphore, #tpu.memory_space<semaphore_mem>>
      tpu.enqueue_dma source(%arg5 : memref<128x128xf32, #tpu.memory_space<hbm>>) target(%arg9 : memref<128x128xf32, #tpu.memory_space<vmem>>) target_semaphore(%run_scoped3A : memref<!tpu.dma_semaphore, #tpu.memory_space<semaphore_mem>>)
      tpu.wait_dma2 semaphore(%run_scoped3A : memref<!tpu.dma_semaphore, #tpu.memory_space<semaphore_mem>>) src(%arg5 : memref<128x128xf32, #tpu.memory_space<hbm>>) dst(%arg9 : memref<128x128xf32, #tpu.memory_space<vmem>>)
      tpu.yield
    }) : () -> ()
    %scan3A = arith.constant 0 : i32
    %scan3A_1 = arith.constant 0 : i32
    %scan3A_2 = arith.constant 5 : i32
    %scan3A_3 = arith.addi %scan3A_1, %scan3A_2 : i32
    %scan3A_4 = arith.constant 1 : i32
    scf.for %scan3A_26 = %scan3A_1 to %scan3A_3 step %scan3A_4  : i32 {
      %mul3A_27 = arith.constant 128 : i32
      %mul3A_28 = arith.muli %scan3A_26, %mul3A_27 : i32
      %add3A_29 = arith.addi %mul3A_0, %mul3A_28 : i32
      "tpu.region"() ({
        %run_scoped3A = tpu.sem_alloc : memref<!tpu.dma_semaphore, #tpu.memory_space<semaphore_mem>>
        %dma_start3A = arith.constant 0 : i32
        %dma_start3A_30 = tpu.memref_slice %arg10[%add3A_29, %dma_start3A] : memref<10240x128xf32, #tpu.memory_space<vmem_shared>> -> memref<128x128xf32, #tpu.memory_space<vmem_shared>>
        %dma_start3A_31 = arith.constant 0 : i32
        %dma_start3A_32 = tpu.memref_slice %arg10[%add3A_29, %dma_start3A_31] : memref<10240x128xf32, #tpu.memory_space<vmem_shared>> -> memref<128x128xf32, #tpu.memory_space<vmem_shared>>
        tpu.enqueue_dma source(%arg9 : memref<128x128xf32, #tpu.memory_space<vmem>>) target(%dma_start3A_32 : memref<128x128xf32, #tpu.memory_space<vmem_shared>>) target_semaphore(%run_scoped3A : memref<!tpu.dma_semaphore, #tpu.memory_space<semaphore_mem>>)
        %dma_wait3A = arith.constant 0 : i32
        %dma_wait3A_33 = tpu.memref_slice %arg10[%add3A_29, %dma_wait3A] : memref<10240x128xf32, #tpu.memory_space<vmem_shared>> -> memref<128x128xf32, #tpu.memory_space<vmem_shared>>
        %dma_wait3A_34 = arith.constant 0 : i32
        %dma_wait3A_35 = tpu.memref_slice %arg10[%add3A_29, %dma_wait3A_34] : memref<10240x128xf32, #tpu.memory_space<vmem_shared>> -> memref<128x128xf32, #tpu.memory_space<vmem_shared>>
        tpu.wait_dma2 semaphore(%run_scoped3A : memref<!tpu.dma_semaphore, #tpu.memory_space<semaphore_mem>>) src(%arg9 : memref<128x128xf32, #tpu.memory_space<vmem>>) dst(%dma_wait3A_35 : memref<128x128xf32, #tpu.memory_space<vmem_shared>>)
        tpu.yield
      }) : () -> ()
    }
    %scan3A_5 = arith.constant 5 : i32
    %mul3A_6 = arith.constant 2560 : i32
    %mul3A_7 = arith.muli %arg0, %mul3A_6 : i32
    %mul3A_8 = arith.constant 160 : i32
    %mul3A_9 = arith.muli %arg1, %mul3A_8 : i32
    %add3A = arith.addi %mul3A_7, %mul3A_9 : i32
    %barrier3A = arith.constant 0 : index
    tpu.barrier barrier_id(%barrier3A)
    %scan3A_10 = arith.constant 0 : i32
    %scan3A_11 = arith.constant 0 : i32
    %scan3A_12 = arith.constant 10 : i32
    %scan3A_13 = arith.addi %scan3A_11, %scan3A_12 : i32
    %scan3A_14 = arith.constant 1 : i32
    scf.for %scan3A_26 = %scan3A_11 to %scan3A_13 step %scan3A_14  : i32 {
      %mul3A_27 = arith.constant 16 : i32
      %mul3A_28 = arith.muli %scan3A_26, %mul3A_27 : i32
      %add3A_29 = arith.addi %add3A, %mul3A_28 : i32
      "tpu.region"() ({
        %run_scoped3A = tpu.sem_alloc : memref<!tpu.dma_semaphore, #tpu.memory_space<semaphore_mem>>
        %dma_start3A = arith.constant 0 : i32
        %dma_start3A_35 = tpu.memref_slice %arg3[%add3A_29, %dma_start3A] : memref<5120x128xi32, #tpu.memory_space<hbm>> -> memref<16x128xi32, #tpu.memory_space<hbm>>
        %dma_start3A_36 = arith.constant 0 : i32
        %dma_start3A_37 = tpu.memref_slice %arg3[%add3A_29, %dma_start3A_36] : memref<5120x128xi32, #tpu.memory_space<hbm>> -> memref<16x128xi32, #tpu.memory_space<hbm>>
        tpu.enqueue_dma source(%dma_start3A_37 : memref<16x128xi32, #tpu.memory_space<hbm>>) target(%arg7 : memref<16x128xi32, #tpu.memory_space<vmem>>) target_semaphore(%run_scoped3A : memref<!tpu.dma_semaphore, #tpu.memory_space<semaphore_mem>>)
        %dma_wait3A = arith.constant 0 : i32
        %dma_wait3A_38 = tpu.memref_slice %arg3[%add3A_29, %dma_wait3A] : memref<5120x128xi32, #tpu.memory_space<hbm>> -> memref<16x128xi32, #tpu.memory_space<hbm>>
        %dma_wait3A_39 = arith.constant 0 : i32
        %dma_wait3A_40 = tpu.memref_slice %arg3[%add3A_29, %dma_wait3A_39] : memref<5120x128xi32, #tpu.memory_space<hbm>> -> memref<16x128xi32, #tpu.memory_space<hbm>>
        tpu.wait_dma2 semaphore(%run_scoped3A : memref<!tpu.dma_semaphore, #tpu.memory_space<semaphore_mem>>) src(%dma_wait3A_40 : memref<16x128xi32, #tpu.memory_space<hbm>>) dst(%arg7 : memref<16x128xi32, #tpu.memory_space<vmem>>)
        tpu.yield
      }) : () -> ()
      "tpu.region"() ({
        %run_scoped3A = tpu.sem_alloc : memref<!tpu.dma_semaphore, #tpu.memory_space<semaphore_mem>>
        %dma_start3A = arith.constant 0 : i32
        %dma_start3A_35 = tpu.memref_slice %arg4[%add3A_29, %dma_start3A] : memref<5120x128xi32, #tpu.memory_space<hbm>> -> memref<16x128xi32, #tpu.memory_space<hbm>>
        %dma_start3A_36 = arith.constant 0 : i32
        %dma_start3A_37 = tpu.memref_slice %arg4[%add3A_29, %dma_start3A_36] : memref<5120x128xi32, #tpu.memory_space<hbm>> -> memref<16x128xi32, #tpu.memory_space<hbm>>
        tpu.enqueue_dma source(%dma_start3A_37 : memref<16x128xi32, #tpu.memory_space<hbm>>) target(%arg8 : memref<16x128xi32, #tpu.memory_space<vmem>>) target_semaphore(%run_scoped3A : memref<!tpu.dma_semaphore, #tpu.memory_space<semaphore_mem>>)
        %dma_wait3A = arith.constant 0 : i32
        %dma_wait3A_38 = tpu.memref_slice %arg4[%add3A_29, %dma_wait3A] : memref<5120x128xi32, #tpu.memory_space<hbm>> -> memref<16x128xi32, #tpu.memory_space<hbm>>
        %dma_wait3A_39 = arith.constant 0 : i32
        %dma_wait3A_40 = tpu.memref_slice %arg4[%add3A_29, %dma_wait3A_39] : memref<5120x128xi32, #tpu.memory_space<hbm>> -> memref<16x128xi32, #tpu.memory_space<hbm>>
        tpu.wait_dma2 semaphore(%run_scoped3A : memref<!tpu.dma_semaphore, #tpu.memory_space<semaphore_mem>>) src(%dma_wait3A_40 : memref<16x128xi32, #tpu.memory_space<hbm>>) dst(%arg8 : memref<16x128xi32, #tpu.memory_space<vmem>>)
        tpu.yield
      }) : () -> ()
      %scan3A_30 = arith.constant 0 : i32
      %scan3A_31 = arith.constant 16 : i32
      %scan3A_32 = arith.addi %scan3A_30, %scan3A_31 : i32
      %scan3A_33 = arith.constant 1 : i32
      scf.for %scan3A_35 = %scan3A_30 to %scan3A_32 step %scan3A_33  : i32 {
        %dma_start3A = arith.constant 0 : i32
        %dma_start3A_36 = tpu.memref_slice %arg7[%scan3A_35, %dma_start3A] : memref<16x128xi32, #tpu.memory_space<vmem>> -> memref<1x128xi32, #tpu.memory_space<vmem>>
        %dma_start3A_37 = tpu.memref_squeeze %dma_start3A_36 : memref<1x128xi32, #tpu.memory_space<vmem>> -> memref<128xi32, #tpu.memory_space<vmem>>
        %dma_start3A_38 = arith.constant 0 : i32
        %dma_start3A_39 = arith.constant 0 : i32
        %dma_start3A_40 = tpu.memref_slice %arg2[%dma_start3A_38, %dma_start3A_39] : memref<20000x128xf32, #tpu.memory_space<hbm>> -> memref<20000x128xf32, #tpu.memory_space<hbm>>
        tpu.enqueue_indirect_dma source(%dma_start3A_40 : memref<20000x128xf32, #tpu.memory_space<hbm>>) target(%arg9 : memref<128x128xf32, #tpu.memory_space<vmem>>) offsets(%dma_start3A_37 : memref<128xi32, #tpu.memory_space<vmem>>) semaphore(%arg11 : memref<!tpu.dma_semaphore, #tpu.memory_space<semaphore_mem>>)
        %dma_wait3A = arith.constant 0 : i32
        %dma_wait3A_41 = tpu.memref_slice %arg7[%scan3A_35, %dma_wait3A] : memref<16x128xi32, #tpu.memory_space<vmem>> -> memref<1x128xi32, #tpu.memory_space<vmem>>
        %dma_wait3A_42 = tpu.memref_squeeze %dma_wait3A_41 : memref<1x128xi32, #tpu.memory_space<vmem>> -> memref<128xi32, #tpu.memory_space<vmem>>
        %dma_wait3A_43 = arith.constant 0 : i32
        %dma_wait3A_44 = arith.constant 0 : i32
        %dma_wait3A_45 = tpu.memref_slice %arg2[%dma_wait3A_43, %dma_wait3A_44] : memref<20000x128xf32, #tpu.memory_space<hbm>> -> memref<20000x128xf32, #tpu.memory_space<hbm>>
        tpu.wait_indirect_dma semaphore(%arg11 : memref<!tpu.dma_semaphore, #tpu.memory_space<semaphore_mem>>) src(%dma_wait3A_45 : memref<20000x128xf32, #tpu.memory_space<hbm>>) dst(%arg9 : memref<128x128xf32, #tpu.memory_space<vmem>>)
        "tpu.region"() ({
          %run_scoped3A = tpu.sem_alloc : memref<!tpu.dma_semaphore, #tpu.memory_space<semaphore_mem>>
          %dma_start3A_46 = arith.constant 0 : i32
          %dma_start3A_47 = tpu.memref_slice %arg8[%scan3A_35, %dma_start3A_46] : memref<16x128xi32, #tpu.memory_space<vmem>> -> memref<1x128xi32, #tpu.memory_space<vmem>>
          %dma_start3A_48 = tpu.memref_squeeze %dma_start3A_47 : memref<1x128xi32, #tpu.memory_space<vmem>> -> memref<128xi32, #tpu.memory_space<vmem>>
          %dma_start3A_49 = arith.constant 0 : i32
          %dma_start3A_50 = arith.constant 0 : i32
          %dma_start3A_51 = tpu.memref_slice %arg10[%dma_start3A_49, %dma_start3A_50] : memref<10240x128xf32, #tpu.memory_space<vmem_shared>> -> memref<10240x128xf32, #tpu.memory_space<vmem_shared>>
          tpu.enqueue_indirect_dma source(%arg9 : memref<128x128xf32, #tpu.memory_space<vmem>>) target(%dma_start3A_51 : memref<10240x128xf32, #tpu.memory_space<vmem_shared>>) offsets(%dma_start3A_48 : memref<128xi32, #tpu.memory_space<vmem>>) semaphore(%run_scoped3A : memref<!tpu.dma_semaphore, #tpu.memory_space<semaphore_mem>>) {add = true}
          %dma_wait3A_52 = arith.constant 0 : i32
          %dma_wait3A_53 = tpu.memref_slice %arg8[%scan3A_35, %dma_wait3A_52] : memref<16x128xi32, #tpu.memory_space<vmem>> -> memref<1x128xi32, #tpu.memory_space<vmem>>
          %dma_wait3A_54 = tpu.memref_squeeze %dma_wait3A_53 : memref<1x128xi32, #tpu.memory_space<vmem>> -> memref<128xi32, #tpu.memory_space<vmem>>
          %dma_wait3A_55 = arith.constant 0 : i32
          %dma_wait3A_56 = arith.constant 0 : i32
          %dma_wait3A_57 = tpu.memref_slice %arg10[%dma_wait3A_55, %dma_wait3A_56] : memref<10240x128xf32, #tpu.memory_space<vmem_shared>> -> memref<10240x128xf32, #tpu.memory_space<vmem_shared>>
          tpu.wait_indirect_dma semaphore(%run_scoped3A : memref<!tpu.dma_semaphore, #tpu.memory_space<semaphore_mem>>) src(%arg9 : memref<128x128xf32, #tpu.memory_space<vmem>>) dst(%dma_wait3A_57 : memref<10240x128xf32, #tpu.memory_space<vmem_shared>>)
          tpu.yield
        }) : () -> ()
      }
      %scan3A_34 = arith.constant 16 : i32
    }
    %scan3A_15 = arith.constant 10 : i32
    %barrier3A_16 = arith.constant 0 : index
    tpu.barrier barrier_id(%barrier3A_16)
    %mul3A_17 = arith.constant 10240 : i32
    %mul3A_18 = arith.muli %arg0, %mul3A_17 : i32
    %add3A_19 = arith.addi %mul3A_18, %mul3A_0 : i32
    %scan3A_20 = arith.constant 0 : i32
    %scan3A_21 = arith.constant 0 : i32
    %scan3A_22 = arith.constant 5 : i32
    %scan3A_23 = arith.addi %scan3A_21, %scan3A_22 : i32
    %scan3A_24 = arith.constant 1 : i32
    scf.for %scan3A_26 = %scan3A_21 to %scan3A_23 step %scan3A_24  : i32 {
      %mul3A_27 = arith.constant 128 : i32
      %mul3A_28 = arith.muli %scan3A_26, %mul3A_27 : i32
      %add3A_29 = arith.addi %mul3A_0, %mul3A_28 : i32
      "tpu.region"() ({
        %run_scoped3A = tpu.sem_alloc : memref<!tpu.dma_semaphore, #tpu.memory_space<semaphore_mem>>
        %dma_start3A = arith.constant 0 : i32
        %dma_start3A_33 = tpu.memref_slice %arg10[%add3A_29, %dma_start3A] : memref<10240x128xf32, #tpu.memory_space<vmem_shared>> -> memref<128x128xf32, #tpu.memory_space<vmem_shared>>
        %dma_start3A_34 = arith.constant 0 : i32
        %dma_start3A_35 = tpu.memref_slice %arg10[%add3A_29, %dma_start3A_34] : memref<10240x128xf32, #tpu.memory_space<vmem_shared>> -> memref<128x128xf32, #tpu.memory_space<vmem_shared>>
        tpu.enqueue_dma source(%dma_start3A_35 : memref<128x128xf32, #tpu.memory_space<vmem_shared>>) target(%arg9 : memref<128x128xf32, #tpu.memory_space<vmem>>) target_semaphore(%run_scoped3A : memref<!tpu.dma_semaphore, #tpu.memory_space<semaphore_mem>>)
        %dma_wait3A = arith.constant 0 : i32
        %dma_wait3A_36 = tpu.memref_slice %arg10[%add3A_29, %dma_wait3A] : memref<10240x128xf32, #tpu.memory_space<vmem_shared>> -> memref<128x128xf32, #tpu.memory_space<vmem_shared>>
        %dma_wait3A_37 = arith.constant 0 : i32
        %dma_wait3A_38 = tpu.memref_slice %arg10[%add3A_29, %dma_wait3A_37] : memref<10240x128xf32, #tpu.memory_space<vmem_shared>> -> memref<128x128xf32, #tpu.memory_space<vmem_shared>>
        tpu.wait_dma2 semaphore(%run_scoped3A : memref<!tpu.dma_semaphore, #tpu.memory_space<semaphore_mem>>) src(%dma_wait3A_38 : memref<128x128xf32, #tpu.memory_space<vmem_shared>>) dst(%arg9 : memref<128x128xf32, #tpu.memory_space<vmem>>)
        tpu.yield
      }) : () -> ()
      %mul3A_30 = arith.constant 128 : i32
      %mul3A_31 = arith.muli %scan3A_26, %mul3A_30 : i32
      %add3A_32 = arith.addi %add3A_19, %mul3A_31 : i32
      "tpu.region"() ({
        %run_scoped3A = tpu.sem_alloc : memref<!tpu.dma_semaphore, #tpu.memory_space<semaphore_mem>>
        %dma_start3A = arith.constant 0 : i32
        %dma_start3A_33 = tpu.memref_slice %arg6[%add3A_32, %dma_start3A] : memref<20480x128xf32, #tpu.memory_space<hbm>> -> memref<128x128xf32, #tpu.memory_space<hbm>>
        %dma_start3A_34 = arith.constant 0 : i32
        %dma_start3A_35 = tpu.memref_slice %arg6[%add3A_32, %dma_start3A_34] : memref<20480x128xf32, #tpu.memory_space<hbm>> -> memref<128x128xf32, #tpu.memory_space<hbm>>
        tpu.enqueue_dma source(%arg9 : memref<128x128xf32, #tpu.memory_space<vmem>>) target(%dma_start3A_35 : memref<128x128xf32, #tpu.memory_space<hbm>>) target_semaphore(%run_scoped3A : memref<!tpu.dma_semaphore, #tpu.memory_space<semaphore_mem>>)
        %dma_wait3A = arith.constant 0 : i32
        %dma_wait3A_36 = tpu.memref_slice %arg6[%add3A_32, %dma_wait3A] : memref<20480x128xf32, #tpu.memory_space<hbm>> -> memref<128x128xf32, #tpu.memory_space<hbm>>
        %dma_wait3A_37 = arith.constant 0 : i32
        %dma_wait3A_38 = tpu.memref_slice %arg6[%add3A_32, %dma_wait3A_37] : memref<20480x128xf32, #tpu.memory_space<hbm>> -> memref<128x128xf32, #tpu.memory_space<hbm>>
        tpu.wait_dma2 semaphore(%run_scoped3A : memref<!tpu.dma_semaphore, #tpu.memory_space<semaphore_mem>>) src(%arg9 : memref<128x128xf32, #tpu.memory_space<vmem>>) dst(%dma_wait3A_38 : memref<128x128xf32, #tpu.memory_space<hbm>>)
        tpu.yield
      }) : () -> ()
    }
    %scan3A_25 = arith.constant 5 : i32
    return
  }
}

#map = affine_map<(d0, d1) -> (0, 0)>
module attributes {stable_mosaic.version = 14 : i64} {
  func.func @body(%arg0: i32, %arg1: i32, %arg2: memref<128x128xf32, #tpu.memory_space<hbm>>, %arg3: memref<5120x128xi32, #tpu.memory_space<hbm>>, %arg4: memref<5120x128xi32, #tpu.memory_space<hbm>>, %arg5: memref<128x128xf32, #tpu.memory_space<hbm>>, %arg6: memref<20480x128xf32, #tpu.memory_space<hbm>>, %arg7: memref<16x128xi32, #tpu.memory_space<vmem>>, %arg8: memref<16x128xi32, #tpu.memory_space<vmem>>, %arg9: memref<128x128xf32, #tpu.memory_space<vmem>>, %arg10: memref<10240x128xf32, #tpu.memory_space<vmem_shared>>, %arg11: memref<!tpu.dma_semaphore, #tpu.memory_space<semaphore_mem>>) attributes {dimension_semantics = [#tpu.dimension_semantics<core_parallel>, #tpu.dimension_semantics<subcore_parallel>], iteration_bounds = array<i64: 2, 16>, scalar_prefetch = 0 : i64, scratch_operands = 5 : i64, tpu.core_type = #tpu.core_type<sc_vector_subcore>, window_params = [{transform_indices = #map}, {transform_indices = #map}, {transform_indices = #map}, {transform_indices = #map}, {transform_indices = #map}]} {
    %mul3A = arith.constant 640 : i32
    %mul3A_0 = arith.muli %arg1, %mul3A : i32
    "tpu.region"() ({
      %run_scoped3A = tpu.sem_alloc : memref<!tpu.dma_semaphore, #tpu.memory_space<semaphore_mem>>
      tpu.enqueue_dma source(%arg5 : memref<128x128xf32, #tpu.memory_space<hbm>>) target(%arg9 : memref<128x128xf32, #tpu.memory_space<vmem>>) target_semaphore(%run_scoped3A : memref<!tpu.dma_semaphore, #tpu.memory_space<semaphore_mem>>)
      tpu.wait_dma2 semaphore(%run_scoped3A : memref<!tpu.dma_semaphore, #tpu.memory_space<semaphore_mem>>) src(%arg5 : memref<128x128xf32, #tpu.memory_space<hbm>>) dst(%arg9 : memref<128x128xf32, #tpu.memory_space<vmem>>)
      tpu.yield
    }) : () -> ()
    %scan3A = arith.constant 0 : i32
    %scan3A_1 = arith.constant 0 : i32
    %scan3A_2 = arith.constant 5 : i32
    %scan3A_3 = arith.addi %scan3A_1, %scan3A_2 : i32
    %scan3A_4 = arith.constant 1 : i32
    scf.for %scan3A_26 = %scan3A_1 to %scan3A_3 step %scan3A_4  : i32 {
      %mul3A_27 = arith.constant 128 : i32
      %mul3A_28 = arith.muli %scan3A_26, %mul3A_27 : i32
      %add3A_29 = arith.addi %mul3A_0, %mul3A_28 : i32
      "tpu.region"() ({
        %run_scoped3A = tpu.sem_alloc : memref<!tpu.dma_semaphore, #tpu.memory_space<semaphore_mem>>
        %dma_start3A = arith.constant 0 : i32
        %dma_start3A_30 = tpu.memref_slice %arg10[%add3A_29, %dma_start3A] : memref<10240x128xf32, #tpu.memory_space<vmem_shared>> -> memref<128x128xf32, #tpu.memory_space<vmem_shared>>
        %dma_start3A_31 = arith.constant 0 : i32
        %dma_start3A_32 = tpu.memref_slice %arg10[%add3A_29, %dma_start3A_31] : memref<10240x128xf32, #tpu.memory_space<vmem_shared>> -> memref<128x128xf32, #tpu.memory_space<vmem_shared>>
        tpu.enqueue_dma source(%arg9 : memref<128x128xf32, #tpu.memory_space<vmem>>) target(%dma_start3A_32 : memref<128x128xf32, #tpu.memory_space<vmem_shared>>) target_semaphore(%run_scoped3A : memref<!tpu.dma_semaphore, #tpu.memory_space<semaphore_mem>>)
        %dma_wait3A = arith.constant 0 : i32
        %dma_wait3A_33 = tpu.memref_slice %arg10[%add3A_29, %dma_wait3A] : memref<10240x128xf32, #tpu.memory_space<vmem_shared>> -> memref<128x128xf32, #tpu.memory_space<vmem_shared>>
        %dma_wait3A_34 = arith.constant 0 : i32
        %dma_wait3A_35 = tpu.memref_slice %arg10[%add3A_29, %dma_wait3A_34] : memref<10240x128xf32, #tpu.memory_space<vmem_shared>> -> memref<128x128xf32, #tpu.memory_space<vmem_shared>>
        tpu.wait_dma2 semaphore(%run_scoped3A : memref<!tpu.dma_semaphore, #tpu.memory_space<semaphore_mem>>) src(%arg9 : memref<128x128xf32, #tpu.memory_space<vmem>>) dst(%dma_wait3A_35 : memref<128x128xf32, #tpu.memory_space<vmem_shared>>)
        tpu.yield
      }) : () -> ()
    }
    %scan3A_5 = arith.constant 5 : i32
    %mul3A_6 = arith.constant 2560 : i32
    %mul3A_7 = arith.muli %arg0, %mul3A_6 : i32
    %mul3A_8 = arith.constant 160 : i32
    %mul3A_9 = arith.muli %arg1, %mul3A_8 : i32
    %add3A = arith.addi %mul3A_7, %mul3A_9 : i32
    %barrier3A = arith.constant 0 : index
    tpu.barrier barrier_id(%barrier3A)
    "tpu.region"() ({
      %run_scoped3A = tpu.sem_alloc : memref<!tpu.dma_semaphore, #tpu.memory_space<semaphore_mem>>
      %dma_start3A = arith.constant 0 : i32
      %dma_start3A_26 = arith.constant 0 : i32
      %dma_start3A_27 = tpu.memref_slice %arg2[%dma_start3A, %dma_start3A_26] : memref<128x128xf32, #tpu.memory_space<hbm>> -> memref<128x128xf32, #tpu.memory_space<hbm>>
      %dma_start3A_28 = arith.constant 0 : i32
      %dma_start3A_29 = arith.constant 0 : i32
      %dma_start3A_30 = tpu.memref_slice %arg2[%dma_start3A_28, %dma_start3A_29] : memref<128x128xf32, #tpu.memory_space<hbm>> -> memref<128x128xf32, #tpu.memory_space<hbm>>
      tpu.enqueue_dma source(%dma_start3A_30 : memref<128x128xf32, #tpu.memory_space<hbm>>) target(%arg9 : memref<128x128xf32, #tpu.memory_space<vmem>>) target_semaphore(%run_scoped3A : memref<!tpu.dma_semaphore, #tpu.memory_space<semaphore_mem>>)
      %dma_wait3A = arith.constant 0 : i32
      %dma_wait3A_31 = arith.constant 0 : i32
      %dma_wait3A_32 = tpu.memref_slice %arg2[%dma_wait3A, %dma_wait3A_31] : memref<128x128xf32, #tpu.memory_space<hbm>> -> memref<128x128xf32, #tpu.memory_space<hbm>>
      %dma_wait3A_33 = arith.constant 0 : i32
      %dma_wait3A_34 = arith.constant 0 : i32
      %dma_wait3A_35 = tpu.memref_slice %arg2[%dma_wait3A_33, %dma_wait3A_34] : memref<128x128xf32, #tpu.memory_space<hbm>> -> memref<128x128xf32, #tpu.memory_space<hbm>>
      tpu.wait_dma2 semaphore(%run_scoped3A : memref<!tpu.dma_semaphore, #tpu.memory_space<semaphore_mem>>) src(%dma_wait3A_35 : memref<128x128xf32, #tpu.memory_space<hbm>>) dst(%arg9 : memref<128x128xf32, #tpu.memory_space<vmem>>)
      tpu.yield
    }) : () -> ()
    %scan3A_10 = arith.constant 0 : i32
    %scan3A_11 = arith.constant 0 : i32
    %scan3A_12 = arith.constant 10 : i32
    %scan3A_13 = arith.addi %scan3A_11, %scan3A_12 : i32
    %scan3A_14 = arith.constant 1 : i32
    scf.for %scan3A_26 = %scan3A_11 to %scan3A_13 step %scan3A_14  : i32 {
      %mul3A_27 = arith.constant 16 : i32
      %mul3A_28 = arith.muli %scan3A_26, %mul3A_27 : i32
      %add3A_29 = arith.addi %add3A, %mul3A_28 : i32
      "tpu.region"() ({
        %run_scoped3A = tpu.sem_alloc : memref<!tpu.dma_semaphore, #tpu.memory_space<semaphore_mem>>
        %dma_start3A = arith.constant 0 : i32
        %dma_start3A_35 = tpu.memref_slice %arg4[%add3A_29, %dma_start3A] : memref<5120x128xi32, #tpu.memory_space<hbm>> -> memref<16x128xi32, #tpu.memory_space<hbm>>
        %dma_start3A_36 = arith.constant 0 : i32
        %dma_start3A_37 = tpu.memref_slice %arg4[%add3A_29, %dma_start3A_36] : memref<5120x128xi32, #tpu.memory_space<hbm>> -> memref<16x128xi32, #tpu.memory_space<hbm>>
        tpu.enqueue_dma source(%dma_start3A_37 : memref<16x128xi32, #tpu.memory_space<hbm>>) target(%arg8 : memref<16x128xi32, #tpu.memory_space<vmem>>) target_semaphore(%run_scoped3A : memref<!tpu.dma_semaphore, #tpu.memory_space<semaphore_mem>>)
        %dma_wait3A = arith.constant 0 : i32
        %dma_wait3A_38 = tpu.memref_slice %arg4[%add3A_29, %dma_wait3A] : memref<5120x128xi32, #tpu.memory_space<hbm>> -> memref<16x128xi32, #tpu.memory_space<hbm>>
        %dma_wait3A_39 = arith.constant 0 : i32
        %dma_wait3A_40 = tpu.memref_slice %arg4[%add3A_29, %dma_wait3A_39] : memref<5120x128xi32, #tpu.memory_space<hbm>> -> memref<16x128xi32, #tpu.memory_space<hbm>>
        tpu.wait_dma2 semaphore(%run_scoped3A : memref<!tpu.dma_semaphore, #tpu.memory_space<semaphore_mem>>) src(%dma_wait3A_40 : memref<16x128xi32, #tpu.memory_space<hbm>>) dst(%arg8 : memref<16x128xi32, #tpu.memory_space<vmem>>)
        tpu.yield
      }) : () -> ()
      %scan3A_30 = arith.constant 0 : i32
      %scan3A_31 = arith.constant 16 : i32
      %scan3A_32 = arith.addi %scan3A_30, %scan3A_31 : i32
      %scan3A_33 = arith.constant 1 : i32
      scf.for %scan3A_35 = %scan3A_30 to %scan3A_32 step %scan3A_33  : i32 {
        "tpu.region"() ({
          %run_scoped3A = tpu.sem_alloc : memref<!tpu.dma_semaphore, #tpu.memory_space<semaphore_mem>>
          %dma_start3A = arith.constant 0 : i32
          %dma_start3A_36 = tpu.memref_slice %arg8[%scan3A_35, %dma_start3A] : memref<16x128xi32, #tpu.memory_space<vmem>> -> memref<1x128xi32, #tpu.memory_space<vmem>>
          %dma_start3A_37 = tpu.memref_squeeze %dma_start3A_36 : memref<1x128xi32, #tpu.memory_space<vmem>> -> memref<128xi32, #tpu.memory_space<vmem>>
          %dma_start3A_38 = arith.constant 0 : i32
          %dma_start3A_39 = arith.constant 0 : i32
          %dma_start3A_40 = tpu.memref_slice %arg10[%dma_start3A_38, %dma_start3A_39] : memref<10240x128xf32, #tpu.memory_space<vmem_shared>> -> memref<10240x128xf32, #tpu.memory_space<vmem_shared>>
          tpu.enqueue_indirect_dma source(%arg9 : memref<128x128xf32, #tpu.memory_space<vmem>>) target(%dma_start3A_40 : memref<10240x128xf32, #tpu.memory_space<vmem_shared>>) offsets(%dma_start3A_37 : memref<128xi32, #tpu.memory_space<vmem>>) semaphore(%run_scoped3A : memref<!tpu.dma_semaphore, #tpu.memory_space<semaphore_mem>>) {add = true}
          %dma_wait3A = arith.constant 0 : i32
          %dma_wait3A_41 = tpu.memref_slice %arg8[%scan3A_35, %dma_wait3A] : memref<16x128xi32, #tpu.memory_space<vmem>> -> memref<1x128xi32, #tpu.memory_space<vmem>>
          %dma_wait3A_42 = tpu.memref_squeeze %dma_wait3A_41 : memref<1x128xi32, #tpu.memory_space<vmem>> -> memref<128xi32, #tpu.memory_space<vmem>>
          %dma_wait3A_43 = arith.constant 0 : i32
          %dma_wait3A_44 = arith.constant 0 : i32
          %dma_wait3A_45 = tpu.memref_slice %arg10[%dma_wait3A_43, %dma_wait3A_44] : memref<10240x128xf32, #tpu.memory_space<vmem_shared>> -> memref<10240x128xf32, #tpu.memory_space<vmem_shared>>
          tpu.wait_indirect_dma semaphore(%run_scoped3A : memref<!tpu.dma_semaphore, #tpu.memory_space<semaphore_mem>>) src(%arg9 : memref<128x128xf32, #tpu.memory_space<vmem>>) dst(%dma_wait3A_45 : memref<10240x128xf32, #tpu.memory_space<vmem_shared>>)
          tpu.yield
        }) : () -> ()
      }
      %scan3A_34 = arith.constant 16 : i32
    }
    %scan3A_15 = arith.constant 10 : i32
    %barrier3A_16 = arith.constant 0 : index
    tpu.barrier barrier_id(%barrier3A_16)
    %mul3A_17 = arith.constant 10240 : i32
    %mul3A_18 = arith.muli %arg0, %mul3A_17 : i32
    %add3A_19 = arith.addi %mul3A_18, %mul3A_0 : i32
    %scan3A_20 = arith.constant 0 : i32
    %scan3A_21 = arith.constant 0 : i32
    %scan3A_22 = arith.constant 5 : i32
    %scan3A_23 = arith.addi %scan3A_21, %scan3A_22 : i32
    %scan3A_24 = arith.constant 1 : i32
    scf.for %scan3A_26 = %scan3A_21 to %scan3A_23 step %scan3A_24  : i32 {
      %mul3A_27 = arith.constant 128 : i32
      %mul3A_28 = arith.muli %scan3A_26, %mul3A_27 : i32
      %add3A_29 = arith.addi %mul3A_0, %mul3A_28 : i32
      "tpu.region"() ({
        %run_scoped3A = tpu.sem_alloc : memref<!tpu.dma_semaphore, #tpu.memory_space<semaphore_mem>>
        %dma_start3A = arith.constant 0 : i32
        %dma_start3A_33 = tpu.memref_slice %arg10[%add3A_29, %dma_start3A] : memref<10240x128xf32, #tpu.memory_space<vmem_shared>> -> memref<128x128xf32, #tpu.memory_space<vmem_shared>>
        %dma_start3A_34 = arith.constant 0 : i32
        %dma_start3A_35 = tpu.memref_slice %arg10[%add3A_29, %dma_start3A_34] : memref<10240x128xf32, #tpu.memory_space<vmem_shared>> -> memref<128x128xf32, #tpu.memory_space<vmem_shared>>
        tpu.enqueue_dma source(%dma_start3A_35 : memref<128x128xf32, #tpu.memory_space<vmem_shared>>) target(%arg9 : memref<128x128xf32, #tpu.memory_space<vmem>>) target_semaphore(%run_scoped3A : memref<!tpu.dma_semaphore, #tpu.memory_space<semaphore_mem>>)
        %dma_wait3A = arith.constant 0 : i32
        %dma_wait3A_36 = tpu.memref_slice %arg10[%add3A_29, %dma_wait3A] : memref<10240x128xf32, #tpu.memory_space<vmem_shared>> -> memref<128x128xf32, #tpu.memory_space<vmem_shared>>
        %dma_wait3A_37 = arith.constant 0 : i32
        %dma_wait3A_38 = tpu.memref_slice %arg10[%add3A_29, %dma_wait3A_37] : memref<10240x128xf32, #tpu.memory_space<vmem_shared>> -> memref<128x128xf32, #tpu.memory_space<vmem_shared>>
        tpu.wait_dma2 semaphore(%run_scoped3A : memref<!tpu.dma_semaphore, #tpu.memory_space<semaphore_mem>>) src(%dma_wait3A_38 : memref<128x128xf32, #tpu.memory_space<vmem_shared>>) dst(%arg9 : memref<128x128xf32, #tpu.memory_space<vmem>>)
        tpu.yield
      }) : () -> ()
      %mul3A_30 = arith.constant 128 : i32
      %mul3A_31 = arith.muli %scan3A_26, %mul3A_30 : i32
      %add3A_32 = arith.addi %add3A_19, %mul3A_31 : i32
      "tpu.region"() ({
        %run_scoped3A = tpu.sem_alloc : memref<!tpu.dma_semaphore, #tpu.memory_space<semaphore_mem>>
        %dma_start3A = arith.constant 0 : i32
        %dma_start3A_33 = tpu.memref_slice %arg6[%add3A_32, %dma_start3A] : memref<20480x128xf32, #tpu.memory_space<hbm>> -> memref<128x128xf32, #tpu.memory_space<hbm>>
        %dma_start3A_34 = arith.constant 0 : i32
        %dma_start3A_35 = tpu.memref_slice %arg6[%add3A_32, %dma_start3A_34] : memref<20480x128xf32, #tpu.memory_space<hbm>> -> memref<128x128xf32, #tpu.memory_space<hbm>>
        tpu.enqueue_dma source(%arg9 : memref<128x128xf32, #tpu.memory_space<vmem>>) target(%dma_start3A_35 : memref<128x128xf32, #tpu.memory_space<hbm>>) target_semaphore(%run_scoped3A : memref<!tpu.dma_semaphore, #tpu.memory_space<semaphore_mem>>)
        %dma_wait3A = arith.constant 0 : i32
        %dma_wait3A_36 = tpu.memref_slice %arg6[%add3A_32, %dma_wait3A] : memref<20480x128xf32, #tpu.memory_space<hbm>> -> memref<128x128xf32, #tpu.memory_space<hbm>>
        %dma_wait3A_37 = arith.constant 0 : i32
        %dma_wait3A_38 = tpu.memref_slice %arg6[%add3A_32, %dma_wait3A_37] : memref<20480x128xf32, #tpu.memory_space<hbm>> -> memref<128x128xf32, #tpu.memory_space<hbm>>
        tpu.wait_dma2 semaphore(%run_scoped3A : memref<!tpu.dma_semaphore, #tpu.memory_space<semaphore_mem>>) src(%arg9 : memref<128x128xf32, #tpu.memory_space<vmem>>) dst(%dma_wait3A_38 : memref<128x128xf32, #tpu.memory_space<hbm>>)
        tpu.yield
      }) : () -> ()
    }
    %scan3A_25 = arith.constant 5 : i32
    return
  }
}

module attributes {stable_mosaic.version = 14 : i64} {
  func.func @_encoder_body(%arg0: i32, %arg1: i32, %arg2: memref<1x400x128xf32, #tpu.memory_space<vmem>>, %arg3: memref<1x128x128xf32, #tpu.memory_space<vmem>>, %arg4: memref<1x1x128xf32, #tpu.memory_space<vmem>>, %arg5: memref<1x400x128xf32, #tpu.memory_space<vmem>>) attributes {dimension_semantics = [#tpu.dimension_semantics<arbitrary>, #tpu.dimension_semantics<arbitrary>], iteration_bounds = array<i64: 2, 25>, scalar_prefetch = 0 : i64, scratch_operands = 0 : i64, tpu.core_type = #tpu.core_type<tc>, window_params = [{transform_indices = @transform_0, window_bounds = array<i64: 1, 400, 128>}, {transform_indices = @transform_1, window_bounds = array<i64: 1, 128, 128>}, {transform_indices = @transform_2, window_bounds = array<i64: 1, 1, 128>}, {transform_indices = @transform_3, window_bounds = array<i64: 1, 400, 128>}]} {
    %get3A = arith.constant 0 : index
    %get3A_0 = arith.constant 0 : index
    %get3A_1 = arith.constant 0 : index
    %get3A_2 = vector.load %arg2[%get3A, %get3A_0, %get3A_1] : memref<1x400x128xf32, #tpu.memory_space<vmem>>, vector<1x400x128xf32>
    %get3A_3 = vector.shape_cast %get3A_2 : vector<1x400x128xf32> to vector<400x128xf32>
    %get3A_4 = arith.constant 0 : index
    %get3A_5 = arith.constant 0 : index
    %get3A_6 = arith.constant 0 : index
    %get3A_7 = vector.load %arg3[%get3A_4, %get3A_5, %get3A_6] : memref<1x128x128xf32, #tpu.memory_space<vmem>>, vector<1x128x128xf32>
    %get3A_8 = vector.shape_cast %get3A_7 : vector<1x128x128xf32> to vector<128x128xf32>
    %dot_general3A = arith.constant dense<0.000000e+00> : vector<400x128xf32>
    %dot_general3A_9 = tpu.matmul %get3A_3, %get3A_8, %dot_general3A {dimension_numbers = #tpu.dot_dimension_numbers<[1], [0], [0], [1], [0, 0, 1, 1], [], []>, transpose_lhs_hint = false} : vector<400x128xf32>, vector<128x128xf32>, vector<400x128xf32> -> vector<400x128xf32>
    %get3A_10 = arith.constant 0 : index
    %get3A_11 = arith.constant 0 : index
    %get3A_12 = arith.constant 0 : index
    %get3A_13 = vector.load %arg4[%get3A_10, %get3A_11, %get3A_12] : memref<1x1x128xf32, #tpu.memory_space<vmem>>, vector<1x1x128xf32>
    %get3A_14 = vector.shape_cast %get3A_13 : vector<1x1x128xf32> to vector<1x128xf32>
    %add3A = vector.broadcast %get3A_14 : vector<1x128xf32> to vector<400x128xf32>
    %add3A_15 = arith.addf %dot_general3A_9, %add3A : vector<400x128xf32>
    %max3A = arith.constant 0.000000e+00 : f32
    %max3A_16 = vector.broadcast %max3A : f32 to vector<400x128xf32>
    %max3A_17 = arith.maximumf %add3A_15, %max3A_16 : vector<400x128xf32>
    %mul3A = arith.mulf %max3A_17, %max3A_17 : vector<400x128xf32>
    %reduce_sum3A = arith.constant dense<0.000000e+00> : vector<400xf32>
    %reduce_sum3A_18 = vector.multi_reduction <add>, %mul3A, %reduce_sum3A [1] : vector<400x128xf32> to vector<400xf32>
    %broadcast_in_dim3A = vector.shape_cast %reduce_sum3A_18 : vector<400xf32> to vector<400x1xf32>
    %sqrt3A = math.sqrt %broadcast_in_dim3A : vector<400x1xf32>
    %max3A_19 = arith.constant 9.99999996E-13 : f32
    %max3A_20 = vector.broadcast %max3A_19 : f32 to vector<400x1xf32>
    %max3A_21 = arith.maximumf %sqrt3A, %max3A_20 : vector<400x1xf32>
    %div3A = vector.broadcast %max3A_21 : vector<400x1xf32> to vector<400x128xf32>
    %div3A_22 = arith.divf %max3A_17, %div3A : vector<400x128xf32>
    %swap3A = arith.constant 0 : index
    %swap3A_23 = arith.constant 0 : index
    %swap3A_24 = arith.constant 0 : index
    %swap3A_25 = vector.load %arg5[%swap3A, %swap3A_23, %swap3A_24] : memref<1x400x128xf32, #tpu.memory_space<vmem>>, vector<1x400x128xf32>
    %swap3A_26 = vector.shape_cast %swap3A_25 : vector<1x400x128xf32> to vector<400x128xf32>
    %swap3A_27 = vector.shape_cast %div3A_22 : vector<400x128xf32> to vector<1x400x128xf32>
    tpu.vector_store %arg5[%swap3A, %swap3A_23, %swap3A_24], %swap3A_27 {strides = array<i32>} : memref<1x400x128xf32, #tpu.memory_space<vmem>>, vector<1x400x128xf32>,
    return
  }
  func.func @transform_0(%arg0: i32, %arg1: i32) -> (i32, i32, i32) {
    %c0_i32 = arith.constant 0 : i32
    %c0_i32_0 = arith.constant 0 : i32
    return %arg0, %arg1, %c0_i32 : i32, i32, i32
  }
  func.func @transform_1(%arg0: i32, %arg1: i32) -> (i32, i32, i32) {
    %c0_i32 = arith.constant 0 : i32
    %c0_i32_0 = arith.constant 0 : i32
    %c0_i32_1 = arith.constant 0 : i32
    return %arg0, %c0_i32, %c0_i32_0 : i32, i32, i32
  }
  func.func @transform_2(%arg0: i32, %arg1: i32) -> (i32, i32, i32) {
    %c0_i32 = arith.constant 0 : i32
    %c0_i32_0 = arith.constant 0 : i32
    %c0_i32_1 = arith.constant 0 : i32
    return %arg0, %c0_i32, %c0_i32_0 : i32, i32, i32
  }
  func.func @transform_3(%arg0: i32, %arg1: i32) -> (i32, i32, i32) {
    %c0_i32 = arith.constant 0 : i32
    %c0_i32_0 = arith.constant 0 : i32
    return %arg0, %arg1, %c0_i32 : i32, i32, i32
  }
}

module attributes {stable_mosaic.version = 14 : i64} {
  func.func @_combine1_body(%arg0: i32, %arg1: i32, %arg2: memref<1x400x128xf32, #tpu.memory_space<vmem>>, %arg3: memref<1x400x128xf32, #tpu.memory_space<vmem>>, %arg4: memref<1x400x128xf32, #tpu.memory_space<vmem>>) attributes {dimension_semantics = [#tpu.dimension_semantics<arbitrary>, #tpu.dimension_semantics<arbitrary>], iteration_bounds = array<i64: 2, 25>, scalar_prefetch = 0 : i64, scratch_operands = 0 : i64, tpu.core_type = #tpu.core_type<tc>, window_params = [{transform_indices = @transform_0, window_bounds = array<i64: 1, 400, 128>}, {transform_indices = @transform_1, window_bounds = array<i64: 1, 400, 128>}, {transform_indices = @transform_2, window_bounds = array<i64: 1, 400, 128>}]} {
    %get3A = arith.constant 0 : index
    %get3A_0 = arith.constant 0 : index
    %get3A_1 = arith.constant 0 : index
    %get3A_2 = vector.load %arg3[%get3A, %get3A_0, %get3A_1] : memref<1x400x128xf32, #tpu.memory_space<vmem>>, vector<1x400x128xf32>
    %get3A_3 = vector.shape_cast %get3A_2 : vector<1x400x128xf32> to vector<400x128xf32>
    %slice3A = vector.extract_strided_slice %get3A_3 {offsets = [0, 0], sizes = [400, 1], strides = [1, 1]} : vector<400x128xf32> to vector<400x1xf32>
    %max3A = arith.constant 1.000000e+00 : f32
    %max3A_4 = vector.broadcast %max3A : f32 to vector<400x1xf32>
    %max3A_5 = arith.maximumf %slice3A, %max3A_4 : vector<400x1xf32>
    %get3A_6 = arith.constant 0 : index
    %get3A_7 = arith.constant 0 : index
    %get3A_8 = arith.constant 0 : index
    %get3A_9 = vector.load %arg2[%get3A_6, %get3A_7, %get3A_8] : memref<1x400x128xf32, #tpu.memory_space<vmem>>, vector<1x400x128xf32>
    %get3A_10 = vector.shape_cast %get3A_9 : vector<1x400x128xf32> to vector<400x128xf32>
    %div3A = vector.broadcast %max3A_5 : vector<400x1xf32> to vector<400x128xf32>
    %div3A_11 = arith.divf %get3A_10, %div3A : vector<400x128xf32>
    %swap3A = arith.constant 0 : index
    %swap3A_12 = arith.constant 0 : index
    %swap3A_13 = arith.constant 0 : index
    %swap3A_14 = vector.load %arg4[%swap3A, %swap3A_12, %swap3A_13] : memref<1x400x128xf32, #tpu.memory_space<vmem>>, vector<1x400x128xf32>
    %swap3A_15 = vector.shape_cast %swap3A_14 : vector<1x400x128xf32> to vector<400x128xf32>
    %swap3A_16 = vector.shape_cast %div3A_11 : vector<400x128xf32> to vector<1x400x128xf32>
    tpu.vector_store %arg4[%swap3A, %swap3A_12, %swap3A_13], %swap3A_16 {strides = array<i32>} : memref<1x400x128xf32, #tpu.memory_space<vmem>>, vector<1x400x128xf32>,
    return
  }
  func.func @transform_0(%arg0: i32, %arg1: i32) -> (i32, i32, i32) {
    %c0_i32 = arith.constant 0 : i32
    %c0_i32_0 = arith.constant 0 : i32
    return %arg0, %arg1, %c0_i32 : i32, i32, i32
  }
  func.func @transform_1(%arg0: i32, %arg1: i32) -> (i32, i32, i32) {
    %c0_i32 = arith.constant 0 : i32
    %c0_i32_0 = arith.constant 0 : i32
    return %arg0, %arg1, %c0_i32 : i32, i32, i32
  }
  func.func @transform_2(%arg0: i32, %arg1: i32) -> (i32, i32, i32) {
    %c0_i32 = arith.constant 0 : i32
    %c0_i32_0 = arith.constant 0 : i32
    return %arg0, %arg1, %c0_i32 : i32, i32, i32
  }
}

module attributes {stable_mosaic.version = 14 : i64} {
  func.func @_combine2_body(%arg0: i32, %arg1: i32, %arg2: memref<1x400x128xf32, #tpu.memory_space<vmem>>, %arg3: memref<1x400x128xf32, #tpu.memory_space<vmem>>, %arg4: memref<1x400x128xf32, #tpu.memory_space<vmem>>, %arg5: memref<1x400x128xf32, #tpu.memory_space<vmem>>) attributes {dimension_semantics = [#tpu.dimension_semantics<arbitrary>, #tpu.dimension_semantics<arbitrary>], iteration_bounds = array<i64: 2, 25>, scalar_prefetch = 0 : i64, scratch_operands = 0 : i64, tpu.core_type = #tpu.core_type<tc>, window_params = [{transform_indices = @transform_0, window_bounds = array<i64: 1, 400, 128>}, {transform_indices = @transform_1, window_bounds = array<i64: 1, 400, 128>}, {transform_indices = @transform_2, window_bounds = array<i64: 1, 400, 128>}, {transform_indices = @transform_3, window_bounds = array<i64: 1, 400, 128>}]} {
    %get3A = arith.constant 0 : index
    %get3A_0 = arith.constant 0 : index
    %get3A_1 = arith.constant 0 : index
    %get3A_2 = vector.load %arg4[%get3A, %get3A_0, %get3A_1] : memref<1x400x128xf32, #tpu.memory_space<vmem>>, vector<1x400x128xf32>
    %get3A_3 = vector.shape_cast %get3A_2 : vector<1x400x128xf32> to vector<400x128xf32>
    %slice3A = vector.extract_strided_slice %get3A_3 {offsets = [0, 0], sizes = [400, 1], strides = [1, 1]} : vector<400x128xf32> to vector<400x1xf32>
    %max3A = arith.constant 1.000000e+00 : f32
    %max3A_4 = vector.broadcast %max3A : f32 to vector<400x1xf32>
    %max3A_5 = arith.maximumf %slice3A, %max3A_4 : vector<400x1xf32>
    %get3A_6 = arith.constant 0 : index
    %get3A_7 = arith.constant 0 : index
    %get3A_8 = arith.constant 0 : index
    %get3A_9 = vector.load %arg2[%get3A_6, %get3A_7, %get3A_8] : memref<1x400x128xf32, #tpu.memory_space<vmem>>, vector<1x400x128xf32>
    %get3A_10 = vector.shape_cast %get3A_9 : vector<1x400x128xf32> to vector<400x128xf32>
    %mul3A = arith.constant 5.000000e-01 : f32
    %mul3A_11 = vector.broadcast %mul3A : f32 to vector<400x128xf32>
    %mul3A_12 = arith.mulf %mul3A_11, %get3A_10 : vector<400x128xf32>
    %get3A_13 = arith.constant 0 : index
    %get3A_14 = arith.constant 0 : index
    %get3A_15 = arith.constant 0 : index
    %get3A_16 = vector.load %arg3[%get3A_13, %get3A_14, %get3A_15] : memref<1x400x128xf32, #tpu.memory_space<vmem>>, vector<1x400x128xf32>
    %get3A_17 = vector.shape_cast %get3A_16 : vector<1x400x128xf32> to vector<400x128xf32>
    %div3A = vector.broadcast %max3A_5 : vector<400x1xf32> to vector<400x128xf32>
    %div3A_18 = arith.divf %get3A_17, %div3A : vector<400x128xf32>
    %mul3A_19 = arith.constant 5.000000e-01 : f32
    %mul3A_20 = vector.broadcast %mul3A_19 : f32 to vector<400x128xf32>
    %mul3A_21 = arith.mulf %mul3A_20, %div3A_18 : vector<400x128xf32>
    %add3A = arith.addf %mul3A_12, %mul3A_21 : vector<400x128xf32>
    %swap3A = arith.constant 0 : index
    %swap3A_22 = arith.constant 0 : index
    %swap3A_23 = arith.constant 0 : index
    %swap3A_24 = vector.load %arg5[%swap3A, %swap3A_22, %swap3A_23] : memref<1x400x128xf32, #tpu.memory_space<vmem>>, vector<1x400x128xf32>
    %swap3A_25 = vector.shape_cast %swap3A_24 : vector<1x400x128xf32> to vector<400x128xf32>
    %swap3A_26 = vector.shape_cast %add3A : vector<400x128xf32> to vector<1x400x128xf32>
    tpu.vector_store %arg5[%swap3A, %swap3A_22, %swap3A_23], %swap3A_26 {strides = array<i32>} : memref<1x400x128xf32, #tpu.memory_space<vmem>>, vector<1x400x128xf32>,
    return
  }
  func.func @transform_0(%arg0: i32, %arg1: i32) -> (i32, i32, i32) {
    %c0_i32 = arith.constant 0 : i32
    %c0_i32_0 = arith.constant 0 : i32
    return %arg0, %arg1, %c0_i32 : i32, i32, i32
  }
  func.func @transform_1(%arg0: i32, %arg1: i32) -> (i32, i32, i32) {
    %c0_i32 = arith.constant 0 : i32
    %c0_i32_0 = arith.constant 0 : i32
    return %arg0, %arg1, %c0_i32 : i32, i32, i32
  }
  func.func @transform_2(%arg0: i32, %arg1: i32) -> (i32, i32, i32) {
    %c0_i32 = arith.constant 0 : i32
    %c0_i32_0 = arith.constant 0 : i32
    return %arg0, %arg1, %c0_i32 : i32, i32, i32
  }
  func.func @transform_3(%arg0: i32, %arg1: i32) -> (i32, i32, i32) {
    %c0_i32 = arith.constant 0 : i32
    %c0_i32_0 = arith.constant 0 : i32
    return %arg0, %arg1, %c0_i32 : i32, i32, i32
  }
}

module attributes {stable_mosaic.version = 14 : i64} {
  func.func @_denom_body(%arg0: i32, %arg1: i32, %arg2: memref<1x1000x128xf32, #tpu.memory_space<vmem>>, %arg3: memref<1x1000x128xf32, #tpu.memory_space<vmem>>, %arg4: memref<1x1000x128xf32, #tpu.memory_space<vmem>>, %arg5: memref<1000x1xf32, #tpu.memory_space<vmem>>) attributes {dimension_semantics = [#tpu.dimension_semantics<arbitrary>, #tpu.dimension_semantics<arbitrary>], iteration_bounds = array<i64: 10, 10>, scalar_prefetch = 0 : i64, scratch_operands = 0 : i64, tpu.core_type = #tpu.core_type<tc>, window_params = [{transform_indices = @transform_0, window_bounds = array<i64: 1, 1000, 128>}, {transform_indices = @transform_1, window_bounds = array<i64: 1, 1000, 128>}, {transform_indices = @transform_2, window_bounds = array<i64: 1, 1000, 128>}, {transform_indices = @transform_3, window_bounds = array<i64: 1000, 1>}]} {
    %get3A = arith.constant 0 : index
    %get3A_0 = arith.constant 0 : index
    %get3A_1 = arith.constant 0 : index
    %get3A_2 = vector.load %arg2[%get3A, %get3A_0, %get3A_1] : memref<1x1000x128xf32, #tpu.memory_space<vmem>>, vector<1x1000x128xf32>
    %get3A_3 = vector.shape_cast %get3A_2 : vector<1x1000x128xf32> to vector<1000x128xf32>
    %get3A_4 = arith.constant 0 : index
    %get3A_5 = arith.constant 0 : index
    %get3A_6 = arith.constant 0 : index
    %get3A_7 = vector.load %arg3[%get3A_4, %get3A_5, %get3A_6] : memref<1x1000x128xf32, #tpu.memory_space<vmem>>, vector<1x1000x128xf32>
    %get3A_8 = vector.shape_cast %get3A_7 : vector<1x1000x128xf32> to vector<1000x128xf32>
    %dot_general3A = arith.constant dense<0.000000e+00> : vector<1000x1000xf32>
    %dot_general3A_9 = tpu.matmul %get3A_3, %get3A_8, %dot_general3A {dimension_numbers = #tpu.dot_dimension_numbers<[1], [1], [0], [0], [0, 0, 1, 0], [], []>, transpose_lhs_hint = false} : vector<1000x128xf32>, vector<1000x128xf32>, vector<1000x1000xf32> -> vector<1000x1000xf32>
    %exp3A = math.exp %dot_general3A_9 : vector<1000x1000xf32>
    %get3A_10 = arith.constant 0 : index
    %get3A_11 = arith.constant 0 : index
    %get3A_12 = arith.constant 0 : index
    %get3A_13 = vector.load %arg4[%get3A_10, %get3A_11, %get3A_12] : memref<1x1000x128xf32, #tpu.memory_space<vmem>>, vector<1x1000x128xf32>
    %get3A_14 = vector.shape_cast %get3A_13 : vector<1x1000x128xf32> to vector<1000x128xf32>
    %dot_general3A_15 = arith.constant dense<0.000000e+00> : vector<1000x1000xf32>
    %dot_general3A_16 = tpu.matmul %get3A_3, %get3A_14, %dot_general3A_15 {dimension_numbers = #tpu.dot_dimension_numbers<[1], [1], [0], [0], [0, 0, 1, 0], [], []>, transpose_lhs_hint = false} : vector<1000x128xf32>, vector<1000x128xf32>, vector<1000x1000xf32> -> vector<1000x1000xf32>
    %exp3A_17 = math.exp %dot_general3A_16 : vector<1000x1000xf32>
    %reduce_sum3A = arith.constant dense<0.000000e+00> : vector<1000xf32>
    %reduce_sum3A_18 = vector.multi_reduction <add>, %exp3A, %reduce_sum3A [1] : vector<1000x1000xf32> to vector<1000xf32>
    %broadcast_in_dim3A = vector.shape_cast %reduce_sum3A_18 : vector<1000xf32> to vector<1000x1xf32>
    %reduce_sum3A_19 = arith.constant dense<0.000000e+00> : vector<1000xf32>
    %reduce_sum3A_20 = vector.multi_reduction <add>, %exp3A_17, %reduce_sum3A_19 [1] : vector<1000x1000xf32> to vector<1000xf32>
    %broadcast_in_dim3A_21 = vector.shape_cast %reduce_sum3A_20 : vector<1000xf32> to vector<1000x1xf32>
    %add3A = arith.addf %broadcast_in_dim3A, %broadcast_in_dim3A_21 : vector<1000x1xf32>
    %eq3A = arith.constant 0 : i32
    %eq3A_22 = arith.cmpi eq, %arg1, %eq3A : i32
    %convert_element_type3A = arith.extui %eq3A_22 : i1 to i32
    %cond3A = arith.constant 0 : i32
    %cond3A_23 = arith.cmpi ne, %convert_element_type3A, %cond3A : i32
    scf.if %cond3A_23 {
      %swap3A = arith.constant 0 : index
      %swap3A_28 = arith.constant 0 : index
      %swap3A_29 = vector.load %arg5[%swap3A, %swap3A_28] : memref<1000x1xf32, #tpu.memory_space<vmem>>, vector<1000x1xf32>
      tpu.vector_store %arg5[%swap3A, %swap3A_28], %add3A {strides = array<i32>} : memref<1000x1xf32, #tpu.memory_space<vmem>>, vector<1000x1xf32>,
    } else {
    }
    %ne3A = arith.constant 0 : i32
    %ne3A_24 = arith.cmpi ne, %arg1, %ne3A : i32
    %convert_element_type3A_25 = arith.extui %ne3A_24 : i1 to i32
    %cond3A_26 = arith.constant 0 : i32
    %cond3A_27 = arith.cmpi ne, %convert_element_type3A_25, %cond3A_26 : i32
    scf.if %cond3A_27 {
      %get3A_28 = arith.constant 0 : index
      %get3A_29 = arith.constant 0 : index
      %get3A_30 = vector.load %arg5[%get3A_28, %get3A_29] : memref<1000x1xf32, #tpu.memory_space<vmem>>, vector<1000x1xf32>
      %add3A_31 = arith.addf %get3A_30, %add3A : vector<1000x1xf32>
      %swap3A = arith.constant 0 : index
      %swap3A_32 = arith.constant 0 : index
      %swap3A_33 = vector.load %arg5[%swap3A, %swap3A_32] : memref<1000x1xf32, #tpu.memory_space<vmem>>, vector<1000x1xf32>
      tpu.vector_store %arg5[%swap3A, %swap3A_32], %add3A_31 {strides = array<i32>} : memref<1000x1xf32, #tpu.memory_space<vmem>>, vector<1000x1xf32>,
    } else {
    }
    return
  }
  func.func @transform_0(%arg0: i32, %arg1: i32) -> (i32, i32, i32) {
    %c0_i32 = arith.constant 0 : i32
    %c0_i32_0 = arith.constant 0 : i32
    %c0_i32_1 = arith.constant 0 : i32
    return %c0_i32, %arg0, %c0_i32_0 : i32, i32, i32
  }
  func.func @transform_1(%arg0: i32, %arg1: i32) -> (i32, i32, i32) {
    %c0_i32 = arith.constant 0 : i32
    %c0_i32_0 = arith.constant 0 : i32
    %c0_i32_1 = arith.constant 0 : i32
    return %c0_i32, %arg1, %c0_i32_0 : i32, i32, i32
  }
  func.func @transform_2(%arg0: i32, %arg1: i32) -> (i32, i32, i32) {
    %c1_i32 = arith.constant 1 : i32
    %c0_i32 = arith.constant 0 : i32
    %c0_i32_0 = arith.constant 0 : i32
    return %c1_i32, %arg1, %c0_i32 : i32, i32, i32
  }
  func.func @transform_3(%arg0: i32, %arg1: i32) -> (i32, i32) {
    %c0_i32 = arith.constant 0 : i32
    %c0_i32_0 = arith.constant 0 : i32
    return %arg0, %c0_i32 : i32, i32
  }
}

module attributes {stable_mosaic.version = 14 : i64} {
  func.func @_final_body(%arg0: i32, %arg1: memref<2x400x128xf32, #tpu.memory_space<vmem>>, %arg2: memref<2x400x128xf32, #tpu.memory_space<vmem>>, %arg3: memref<2x400x128xf32, #tpu.memory_space<vmem>>, %arg4: memref<2x400x128xf32, #tpu.memory_space<vmem>>, %arg5: memref<400x1xf32, #tpu.memory_space<vmem>>, %arg6: memref<1x8x128xf32, #tpu.memory_space<vmem>>) attributes {dimension_semantics = [#tpu.dimension_semantics<arbitrary>], iteration_bounds = array<i64: 25>, scalar_prefetch = 0 : i64, scratch_operands = 0 : i64, tpu.core_type = #tpu.core_type<tc>, window_params = [{transform_indices = @transform_0, window_bounds = array<i64: 2, 400, 128>}, {transform_indices = @transform_1, window_bounds = array<i64: 2, 400, 128>}, {transform_indices = @transform_2, window_bounds = array<i64: 2, 400, 128>}, {transform_indices = @transform_3, window_bounds = array<i64: 2, 400, 128>}, {transform_indices = @transform_4, window_bounds = array<i64: 400, 1>}, {transform_indices = @transform_5, window_bounds = array<i64: 1, 8, 128>}]} {
    %get3A = arith.constant 0 : index
    %get3A_0 = arith.constant 0 : index
    %get3A_1 = arith.constant 0 : index
    %get3A_2 = vector.load %arg1[%get3A, %get3A_0, %get3A_1] : memref<2x400x128xf32, #tpu.memory_space<vmem>>, vector<1x400x128xf32>
    %get3A_3 = vector.shape_cast %get3A_2 : vector<1x400x128xf32> to vector<400x128xf32>
    %get3A_4 = arith.constant 0 : index
    %get3A_5 = arith.constant 0 : index
    %get3A_6 = arith.constant 0 : index
    %get3A_7 = vector.load %arg3[%get3A_4, %get3A_5, %get3A_6] : memref<2x400x128xf32, #tpu.memory_space<vmem>>, vector<1x400x128xf32>
    %get3A_8 = vector.shape_cast %get3A_7 : vector<1x400x128xf32> to vector<400x128xf32>
    %get3A_9 = arith.constant 0 : index
    %get3A_10 = arith.constant 399 : index
    %get3A_11 = arith.constant 0 : index
    %get3A_12 = vector.load %arg2[%get3A_9, %get3A_10, %get3A_11] : memref<2x400x128xf32, #tpu.memory_space<vmem>>, vector<1x1x128xf32>
    %get3A_13 = vector.shape_cast %get3A_12 : vector<1x1x128xf32> to vector<1x128xf32>
    %slice3A = vector.extract_strided_slice %get3A_3 {offsets = [0, 0], sizes = [399, 128], strides = [1, 1]} : vector<400x128xf32> to vector<399x128xf32>
    %concatenate3A = tpu.concatenate %get3A_13, %slice3A in 0 : vector<1x128xf32>, vector<399x128xf32> -> vector<400x128xf32>
    %get3A_14 = arith.constant 0 : index
    %get3A_15 = arith.constant 399 : index
    %get3A_16 = arith.constant 0 : index
    %get3A_17 = vector.load %arg4[%get3A_14, %get3A_15, %get3A_16] : memref<2x400x128xf32, #tpu.memory_space<vmem>>, vector<1x1x128xf32>
    %get3A_18 = vector.shape_cast %get3A_17 : vector<1x1x128xf32> to vector<1x128xf32>
    %slice3A_19 = vector.extract_strided_slice %get3A_8 {offsets = [0, 0], sizes = [399, 128], strides = [1, 1]} : vector<400x128xf32> to vector<399x128xf32>
    %concatenate3A_20 = tpu.concatenate %get3A_18, %slice3A_19 in 0 : vector<1x128xf32>, vector<399x128xf32> -> vector<400x128xf32>
    %mul3A = arith.mulf %get3A_3, %get3A_8 : vector<400x128xf32>
    %reduce_sum3A = arith.constant dense<0.000000e+00> : vector<400xf32>
    %reduce_sum3A_21 = vector.multi_reduction <add>, %mul3A, %reduce_sum3A [1] : vector<400x128xf32> to vector<400xf32>
    %mul3A_22 = arith.mulf %get3A_3, %concatenate3A_20 : vector<400x128xf32>
    %reduce_sum3A_23 = arith.constant dense<0.000000e+00> : vector<400xf32>
    %reduce_sum3A_24 = vector.multi_reduction <add>, %mul3A_22, %reduce_sum3A_23 [1] : vector<400x128xf32> to vector<400xf32>
    %mul3A_25 = arith.mulf %get3A_3, %concatenate3A : vector<400x128xf32>
    %reduce_sum3A_26 = arith.constant dense<0.000000e+00> : vector<400xf32>
    %reduce_sum3A_27 = vector.multi_reduction <add>, %mul3A_25, %reduce_sum3A_26 [1] : vector<400x128xf32> to vector<400xf32>
    %neg3A = arith.constant 0.000000e+00 : f32
    %neg3A_28 = vector.broadcast %neg3A : f32 to vector<400xf32>
    %neg3A_29 = arith.subf %neg3A_28, %reduce_sum3A_21 : vector<400xf32>
    %max3A = arith.constant 0.000000e+00 : f32
    %max3A_30 = vector.broadcast %max3A : f32 to vector<400xf32>
    %max3A_31 = arith.maximumf %neg3A_29, %max3A_30 : vector<400xf32>
    %abs3A = math.absf %neg3A_29 : vector<400xf32>
    %neg3A_32 = arith.constant 0.000000e+00 : f32
    %neg3A_33 = vector.broadcast %neg3A_32 : f32 to vector<400xf32>
    %neg3A_34 = arith.subf %neg3A_33, %abs3A : vector<400xf32>
    %exp3A = math.exp %neg3A_34 : vector<400xf32>
    %add3A = arith.constant 1.000000e+00 : f32
    %add3A_35 = vector.broadcast %add3A : f32 to vector<400xf32>
    %add3A_36 = arith.addf %add3A_35, %exp3A : vector<400xf32>
    %log3A = math.log %add3A_36 : vector<400xf32>
    %add3A_37 = arith.addf %max3A_31, %log3A : vector<400xf32>
    %reduce_sum3A_38 = vector.shape_cast %add3A_37 : vector<400xf32> to vector<1x400xf32>
    %reduce_sum3A_39 = arith.constant dense<0.000000e+00> : vector<1xf32>
    %reduce_sum3A_40 = vector.multi_reduction <add>, %reduce_sum3A_38, %reduce_sum3A_39 [1] : vector<1x400xf32> to vector<1xf32>
    %reduce_sum3A_41 = vector.shape_cast %reduce_sum3A_40 : vector<1xf32> to vector<1x1xf32>
    %reduce_sum3A_42 = vector.extract %reduce_sum3A_41[0, 0] : f32 from vector<1x1xf32>
    %max3A_43 = arith.constant 0.000000e+00 : f32
    %max3A_44 = vector.broadcast %max3A_43 : f32 to vector<400xf32>
    %max3A_45 = arith.maximumf %reduce_sum3A_24, %max3A_44 : vector<400xf32>
    %abs3A_46 = math.absf %reduce_sum3A_24 : vector<400xf32>
    %neg3A_47 = arith.constant 0.000000e+00 : f32
    %neg3A_48 = vector.broadcast %neg3A_47 : f32 to vector<400xf32>
    %neg3A_49 = arith.subf %neg3A_48, %abs3A_46 : vector<400xf32>
    %exp3A_50 = math.exp %neg3A_49 : vector<400xf32>
    %add3A_51 = arith.constant 1.000000e+00 : f32
    %add3A_52 = vector.broadcast %add3A_51 : f32 to vector<400xf32>
    %add3A_53 = arith.addf %add3A_52, %exp3A_50 : vector<400xf32>
    %log3A_54 = math.log %add3A_53 : vector<400xf32>
    %add3A_55 = arith.addf %max3A_45, %log3A_54 : vector<400xf32>
    %reduce_sum3A_56 = vector.shape_cast %add3A_55 : vector<400xf32> to vector<1x400xf32>
    %reduce_sum3A_57 = arith.constant dense<0.000000e+00> : vector<1xf32>
    %reduce_sum3A_58 = vector.multi_reduction <add>, %reduce_sum3A_56, %reduce_sum3A_57 [1] : vector<1x400xf32> to vector<1xf32>
    %reduce_sum3A_59 = vector.shape_cast %reduce_sum3A_58 : vector<1xf32> to vector<1x1xf32>
    %reduce_sum3A_60 = vector.extract %reduce_sum3A_59[0, 0] : f32 from vector<1x1xf32>
    %max3A_61 = arith.constant 0.000000e+00 : f32
    %max3A_62 = vector.broadcast %max3A_61 : f32 to vector<400xf32>
    %max3A_63 = arith.maximumf %reduce_sum3A_27, %max3A_62 : vector<400xf32>
    %abs3A_64 = math.absf %reduce_sum3A_27 : vector<400xf32>
    %neg3A_65 = arith.constant 0.000000e+00 : f32
    %neg3A_66 = vector.broadcast %neg3A_65 : f32 to vector<400xf32>
    %neg3A_67 = arith.subf %neg3A_66, %abs3A_64 : vector<400xf32>
    %exp3A_68 = math.exp %neg3A_67 : vector<400xf32>
    %add3A_69 = arith.constant 1.000000e+00 : f32
    %add3A_70 = vector.broadcast %add3A_69 : f32 to vector<400xf32>
    %add3A_71 = arith.addf %add3A_70, %exp3A_68 : vector<400xf32>
    %log3A_72 = math.log %add3A_71 : vector<400xf32>
    %add3A_73 = arith.addf %max3A_63, %log3A_72 : vector<400xf32>
    %reduce_sum3A_74 = vector.shape_cast %add3A_73 : vector<400xf32> to vector<1x400xf32>
    %reduce_sum3A_75 = arith.constant dense<0.000000e+00> : vector<1xf32>
    %reduce_sum3A_76 = vector.multi_reduction <add>, %reduce_sum3A_74, %reduce_sum3A_75 [1] : vector<1x400xf32> to vector<1xf32>
    %reduce_sum3A_77 = vector.shape_cast %reduce_sum3A_76 : vector<1xf32> to vector<1x1xf32>
    %reduce_sum3A_78 = vector.extract %reduce_sum3A_77[0, 0] : f32 from vector<1x1xf32>
    %get3A_79 = arith.constant 1 : index
    %get3A_80 = arith.constant 0 : index
    %get3A_81 = arith.constant 0 : index
    %get3A_82 = vector.load %arg1[%get3A_79, %get3A_80, %get3A_81] : memref<2x400x128xf32, #tpu.memory_space<vmem>>, vector<1x400x128xf32>
    %get3A_83 = vector.shape_cast %get3A_82 : vector<1x400x128xf32> to vector<400x128xf32>
    %get3A_84 = arith.constant 1 : index
    %get3A_85 = arith.constant 0 : index
    %get3A_86 = arith.constant 0 : index
    %get3A_87 = vector.load %arg3[%get3A_84, %get3A_85, %get3A_86] : memref<2x400x128xf32, #tpu.memory_space<vmem>>, vector<1x400x128xf32>
    %get3A_88 = vector.shape_cast %get3A_87 : vector<1x400x128xf32> to vector<400x128xf32>
    %get3A_89 = arith.constant 1 : index
    %get3A_90 = arith.constant 399 : index
    %get3A_91 = arith.constant 0 : index
    %get3A_92 = vector.load %arg2[%get3A_89, %get3A_90, %get3A_91] : memref<2x400x128xf32, #tpu.memory_space<vmem>>, vector<1x1x128xf32>
    %get3A_93 = vector.shape_cast %get3A_92 : vector<1x1x128xf32> to vector<1x128xf32>
    %slice3A_94 = vector.extract_strided_slice %get3A_83 {offsets = [0, 0], sizes = [399, 128], strides = [1, 1]} : vector<400x128xf32> to vector<399x128xf32>
    %concatenate3A_95 = tpu.concatenate %get3A_93, %slice3A_94 in 0 : vector<1x128xf32>, vector<399x128xf32> -> vector<400x128xf32>
    %get3A_96 = arith.constant 1 : index
    %get3A_97 = arith.constant 399 : index
    %get3A_98 = arith.constant 0 : index
    %get3A_99 = vector.load %arg4[%get3A_96, %get3A_97, %get3A_98] : memref<2x400x128xf32, #tpu.memory_space<vmem>>, vector<1x1x128xf32>
    %get3A_100 = vector.shape_cast %get3A_99 : vector<1x1x128xf32> to vector<1x128xf32>
    %slice3A_101 = vector.extract_strided_slice %get3A_88 {offsets = [0, 0], sizes = [399, 128], strides = [1, 1]} : vector<400x128xf32> to vector<399x128xf32>
    %concatenate3A_102 = tpu.concatenate %get3A_100, %slice3A_101 in 0 : vector<1x128xf32>, vector<399x128xf32> -> vector<400x128xf32>
    %mul3A_103 = arith.mulf %get3A_83, %get3A_88 : vector<400x128xf32>
    %reduce_sum3A_104 = arith.constant dense<0.000000e+00> : vector<400xf32>
    %reduce_sum3A_105 = vector.multi_reduction <add>, %mul3A_103, %reduce_sum3A_104 [1] : vector<400x128xf32> to vector<400xf32>
    %mul3A_106 = arith.mulf %get3A_83, %concatenate3A_102 : vector<400x128xf32>
    %reduce_sum3A_107 = arith.constant dense<0.000000e+00> : vector<400xf32>
    %reduce_sum3A_108 = vector.multi_reduction <add>, %mul3A_106, %reduce_sum3A_107 [1] : vector<400x128xf32> to vector<400xf32>
    %mul3A_109 = arith.mulf %get3A_83, %concatenate3A_95 : vector<400x128xf32>
    %reduce_sum3A_110 = arith.constant dense<0.000000e+00> : vector<400xf32>
    %reduce_sum3A_111 = vector.multi_reduction <add>, %mul3A_109, %reduce_sum3A_110 [1] : vector<400x128xf32> to vector<400xf32>
    %neg3A_112 = arith.constant 0.000000e+00 : f32
    %neg3A_113 = vector.broadcast %neg3A_112 : f32 to vector<400xf32>
    %neg3A_114 = arith.subf %neg3A_113, %reduce_sum3A_105 : vector<400xf32>
    %max3A_115 = arith.constant 0.000000e+00 : f32
    %max3A_116 = vector.broadcast %max3A_115 : f32 to vector<400xf32>
    %max3A_117 = arith.maximumf %neg3A_114, %max3A_116 : vector<400xf32>
    %abs3A_118 = math.absf %neg3A_114 : vector<400xf32>
    %neg3A_119 = arith.constant 0.000000e+00 : f32
    %neg3A_120 = vector.broadcast %neg3A_119 : f32 to vector<400xf32>
    %neg3A_121 = arith.subf %neg3A_120, %abs3A_118 : vector<400xf32>
    %exp3A_122 = math.exp %neg3A_121 : vector<400xf32>
    %add3A_123 = arith.constant 1.000000e+00 : f32
    %add3A_124 = vector.broadcast %add3A_123 : f32 to vector<400xf32>
    %add3A_125 = arith.addf %add3A_124, %exp3A_122 : vector<400xf32>
    %log3A_126 = math.log %add3A_125 : vector<400xf32>
    %add3A_127 = arith.addf %max3A_117, %log3A_126 : vector<400xf32>
    %reduce_sum3A_128 = vector.shape_cast %add3A_127 : vector<400xf32> to vector<1x400xf32>
    %reduce_sum3A_129 = arith.constant dense<0.000000e+00> : vector<1xf32>
    %reduce_sum3A_130 = vector.multi_reduction <add>, %reduce_sum3A_128, %reduce_sum3A_129 [1] : vector<1x400xf32> to vector<1xf32>
    %reduce_sum3A_131 = vector.shape_cast %reduce_sum3A_130 : vector<1xf32> to vector<1x1xf32>
    %reduce_sum3A_132 = vector.extract %reduce_sum3A_131[0, 0] : f32 from vector<1x1xf32>
    %max3A_133 = arith.constant 0.000000e+00 : f32
    %max3A_134 = vector.broadcast %max3A_133 : f32 to vector<400xf32>
    %max3A_135 = arith.maximumf %reduce_sum3A_108, %max3A_134 : vector<400xf32>
    %abs3A_136 = math.absf %reduce_sum3A_108 : vector<400xf32>
    %neg3A_137 = arith.constant 0.000000e+00 : f32
    %neg3A_138 = vector.broadcast %neg3A_137 : f32 to vector<400xf32>
    %neg3A_139 = arith.subf %neg3A_138, %abs3A_136 : vector<400xf32>
    %exp3A_140 = math.exp %neg3A_139 : vector<400xf32>
    %add3A_141 = arith.constant 1.000000e+00 : f32
    %add3A_142 = vector.broadcast %add3A_141 : f32 to vector<400xf32>
    %add3A_143 = arith.addf %add3A_142, %exp3A_140 : vector<400xf32>
    %log3A_144 = math.log %add3A_143 : vector<400xf32>
    %add3A_145 = arith.addf %max3A_135, %log3A_144 : vector<400xf32>
    %reduce_sum3A_146 = vector.shape_cast %add3A_145 : vector<400xf32> to vector<1x400xf32>
    %reduce_sum3A_147 = arith.constant dense<0.000000e+00> : vector<1xf32>
    %reduce_sum3A_148 = vector.multi_reduction <add>, %reduce_sum3A_146, %reduce_sum3A_147 [1] : vector<1x400xf32> to vector<1xf32>
    %reduce_sum3A_149 = vector.shape_cast %reduce_sum3A_148 : vector<1xf32> to vector<1x1xf32>
    %reduce_sum3A_150 = vector.extract %reduce_sum3A_149[0, 0] : f32 from vector<1x1xf32>
    %max3A_151 = arith.constant 0.000000e+00 : f32
    %max3A_152 = vector.broadcast %max3A_151 : f32 to vector<400xf32>
    %max3A_153 = arith.maximumf %reduce_sum3A_111, %max3A_152 : vector<400xf32>
    %abs3A_154 = math.absf %reduce_sum3A_111 : vector<400xf32>
    %neg3A_155 = arith.constant 0.000000e+00 : f32
    %neg3A_156 = vector.broadcast %neg3A_155 : f32 to vector<400xf32>
    %neg3A_157 = arith.subf %neg3A_156, %abs3A_154 : vector<400xf32>
    %exp3A_158 = math.exp %neg3A_157 : vector<400xf32>
    %add3A_159 = arith.constant 1.000000e+00 : f32
    %add3A_160 = vector.broadcast %add3A_159 : f32 to vector<400xf32>
    %add3A_161 = arith.addf %add3A_160, %exp3A_158 : vector<400xf32>
    %log3A_162 = math.log %add3A_161 : vector<400xf32>
    %add3A_163 = arith.addf %max3A_153, %log3A_162 : vector<400xf32>
    %reduce_sum3A_164 = vector.shape_cast %add3A_163 : vector<400xf32> to vector<1x400xf32>
    %reduce_sum3A_165 = arith.constant dense<0.000000e+00> : vector<1xf32>
    %reduce_sum3A_166 = vector.multi_reduction <add>, %reduce_sum3A_164, %reduce_sum3A_165 [1] : vector<1x400xf32> to vector<1xf32>
    %reduce_sum3A_167 = vector.shape_cast %reduce_sum3A_166 : vector<1xf32> to vector<1x1xf32>
    %reduce_sum3A_168 = vector.extract %reduce_sum3A_167[0, 0] : f32 from vector<1x1xf32>
    %get3A_169 = arith.constant 0 : index
    %get3A_170 = arith.constant 0 : index
    %get3A_171 = arith.constant 0 : index
    %get3A_172 = vector.load %arg3[%get3A_169, %get3A_170, %get3A_171] : memref<2x400x128xf32, #tpu.memory_space<vmem>>, vector<1x400x128xf32>
    %get3A_173 = vector.shape_cast %get3A_172 : vector<1x400x128xf32> to vector<400x128xf32>
    %get3A_174 = arith.constant 1 : index
    %get3A_175 = arith.constant 0 : index
    %get3A_176 = arith.constant 0 : index
    %get3A_177 = vector.load %arg3[%get3A_174, %get3A_175, %get3A_176] : memref<2x400x128xf32, #tpu.memory_space<vmem>>, vector<1x400x128xf32>
    %get3A_178 = vector.shape_cast %get3A_177 : vector<1x400x128xf32> to vector<400x128xf32>
    %mul3A_179 = arith.mulf %get3A_173, %get3A_178 : vector<400x128xf32>
    %reduce_sum3A_180 = arith.constant dense<0.000000e+00> : vector<400xf32>
    %reduce_sum3A_181 = vector.multi_reduction <add>, %mul3A_179, %reduce_sum3A_180 [1] : vector<400x128xf32> to vector<400xf32>
    %get3A_182 = arith.constant 0 : index
    %get3A_183 = arith.constant 0 : index
    %get3A_184 = vector.load %arg5[%get3A_182, %get3A_183] : memref<400x1xf32, #tpu.memory_space<vmem>>, vector<400x1xf32>
    %get3A_185 = vector.shape_cast %get3A_184 : vector<400x1xf32> to vector<400xf32>
    %log3A_186 = math.log %get3A_185 : vector<400xf32>
    %sub3A = arith.subf %log3A_186, %reduce_sum3A_181 : vector<400xf32>
    %reduce_sum3A_187 = vector.shape_cast %sub3A : vector<400xf32> to vector<1x400xf32>
    %reduce_sum3A_188 = arith.constant dense<0.000000e+00> : vector<1xf32>
    %reduce_sum3A_189 = vector.multi_reduction <add>, %reduce_sum3A_187, %reduce_sum3A_188 [1] : vector<1x400xf32> to vector<1xf32>
    %reduce_sum3A_190 = vector.shape_cast %reduce_sum3A_189 : vector<1xf32> to vector<1x1xf32>
    %reduce_sum3A_191 = vector.extract %reduce_sum3A_190[0, 0] : f32 from vector<1x1xf32>
    %mul3A_192 = arith.constant 0.000000e+00 : f32
    %mul3A_193 = arith.mulf %reduce_sum3A_42, %mul3A_192 : f32
    %broadcast_in_dim3A = arith.constant 0.000000e+00 : f32
    %broadcast_in_dim3A_194 = vector.broadcast %broadcast_in_dim3A : f32 to vector<128xf32>
    %add3A_195 = vector.broadcast %reduce_sum3A_42 : f32 to vector<128xf32>
    %add3A_196 = arith.addf %broadcast_in_dim3A_194, %add3A_195 : vector<128xf32>
    %swap3A = arith.constant 0 : index
    %swap3A_197 = arith.constant 0 : index
    %swap3A_198 = arith.constant 0 : index
    %swap3A_199 = vector.load %arg6[%swap3A, %swap3A_197, %swap3A_198] : memref<1x8x128xf32, #tpu.memory_space<vmem>>, vector<1x1x128xf32>
    %swap3A_200 = vector.shape_cast %swap3A_199 : vector<1x1x128xf32> to vector<128xf32>
    %swap3A_201 = vector.shape_cast %add3A_196 : vector<128xf32> to vector<1x1x128xf32>
    tpu.vector_store %arg6[%swap3A, %swap3A_197, %swap3A_198], %swap3A_201 {strides = array<i32>} : memref<1x8x128xf32, #tpu.memory_space<vmem>>, vector<1x1x128xf32>,
    %broadcast_in_dim3A_202 = arith.constant 0.000000e+00 : f32
    %broadcast_in_dim3A_203 = vector.broadcast %broadcast_in_dim3A_202 : f32 to vector<128xf32>
    %add3A_204 = vector.broadcast %reduce_sum3A_60 : f32 to vector<128xf32>
    %add3A_205 = arith.addf %broadcast_in_dim3A_203, %add3A_204 : vector<128xf32>
    %swap3A_206 = arith.constant 0 : index
    %swap3A_207 = arith.constant 1 : index
    %swap3A_208 = arith.constant 0 : index
    %swap3A_209 = vector.load %arg6[%swap3A_206, %swap3A_207, %swap3A_208] : memref<1x8x128xf32, #tpu.memory_space<vmem>>, vector<1x1x128xf32>
    %swap3A_210 = vector.shape_cast %swap3A_209 : vector<1x1x128xf32> to vector<128xf32>
    %swap3A_211 = vector.shape_cast %add3A_205 : vector<128xf32> to vector<1x1x128xf32>
    tpu.vector_store %arg6[%swap3A_206, %swap3A_207, %swap3A_208], %swap3A_211 {strides = array<i32>} : memref<1x8x128xf32, #tpu.memory_space<vmem>>, vector<1x1x128xf32>,
    %broadcast_in_dim3A_212 = arith.constant 0.000000e+00 : f32
    %broadcast_in_dim3A_213 = vector.broadcast %broadcast_in_dim3A_212 : f32 to vector<128xf32>
    %add3A_214 = vector.broadcast %reduce_sum3A_78 : f32 to vector<128xf32>
    %add3A_215 = arith.addf %broadcast_in_dim3A_213, %add3A_214 : vector<128xf32>
    %swap3A_216 = arith.constant 0 : index
    %swap3A_217 = arith.constant 2 : index
    %swap3A_218 = arith.constant 0 : index
    %swap3A_219 = vector.load %arg6[%swap3A_216, %swap3A_217, %swap3A_218] : memref<1x8x128xf32, #tpu.memory_space<vmem>>, vector<1x1x128xf32>
    %swap3A_220 = vector.shape_cast %swap3A_219 : vector<1x1x128xf32> to vector<128xf32>
    %swap3A_221 = vector.shape_cast %add3A_215 : vector<128xf32> to vector<1x1x128xf32>
    tpu.vector_store %arg6[%swap3A_216, %swap3A_217, %swap3A_218], %swap3A_221 {strides = array<i32>} : memref<1x8x128xf32, #tpu.memory_space<vmem>>, vector<1x1x128xf32>,
    %broadcast_in_dim3A_222 = arith.constant 0.000000e+00 : f32
    %broadcast_in_dim3A_223 = vector.broadcast %broadcast_in_dim3A_222 : f32 to vector<128xf32>
    %add3A_224 = vector.broadcast %reduce_sum3A_132 : f32 to vector<128xf32>
    %add3A_225 = arith.addf %broadcast_in_dim3A_223, %add3A_224 : vector<128xf32>
    %swap3A_226 = arith.constant 0 : index
    %swap3A_227 = arith.constant 3 : index
    %swap3A_228 = arith.constant 0 : index
    %swap3A_229 = vector.load %arg6[%swap3A_226, %swap3A_227, %swap3A_228] : memref<1x8x128xf32, #tpu.memory_space<vmem>>, vector<1x1x128xf32>
    %swap3A_230 = vector.shape_cast %swap3A_229 : vector<1x1x128xf32> to vector<128xf32>
    %swap3A_231 = vector.shape_cast %add3A_225 : vector<128xf32> to vector<1x1x128xf32>
    tpu.vector_store %arg6[%swap3A_226, %swap3A_227, %swap3A_228], %swap3A_231 {strides = array<i32>} : memref<1x8x128xf32, #tpu.memory_space<vmem>>, vector<1x1x128xf32>,
    %broadcast_in_dim3A_232 = arith.constant 0.000000e+00 : f32
    %broadcast_in_dim3A_233 = vector.broadcast %broadcast_in_dim3A_232 : f32 to vector<128xf32>
    %add3A_234 = vector.broadcast %reduce_sum3A_150 : f32 to vector<128xf32>
    %add3A_235 = arith.addf %broadcast_in_dim3A_233, %add3A_234 : vector<128xf32>
    %swap3A_236 = arith.constant 0 : index
    %swap3A_237 = arith.constant 4 : index
    %swap3A_238 = arith.constant 0 : index
    %swap3A_239 = vector.load %arg6[%swap3A_236, %swap3A_237, %swap3A_238] : memref<1x8x128xf32, #tpu.memory_space<vmem>>, vector<1x1x128xf32>
    %swap3A_240 = vector.shape_cast %swap3A_239 : vector<1x1x128xf32> to vector<128xf32>
    %swap3A_241 = vector.shape_cast %add3A_235 : vector<128xf32> to vector<1x1x128xf32>
    tpu.vector_store %arg6[%swap3A_236, %swap3A_237, %swap3A_238], %swap3A_241 {strides = array<i32>} : memref<1x8x128xf32, #tpu.memory_space<vmem>>, vector<1x1x128xf32>,
    %broadcast_in_dim3A_242 = arith.constant 0.000000e+00 : f32
    %broadcast_in_dim3A_243 = vector.broadcast %broadcast_in_dim3A_242 : f32 to vector<128xf32>
    %add3A_244 = vector.broadcast %reduce_sum3A_168 : f32 to vector<128xf32>
    %add3A_245 = arith.addf %broadcast_in_dim3A_243, %add3A_244 : vector<128xf32>
    %swap3A_246 = arith.constant 0 : index
    %swap3A_247 = arith.constant 5 : index
    %swap3A_248 = arith.constant 0 : index
    %swap3A_249 = vector.load %arg6[%swap3A_246, %swap3A_247, %swap3A_248] : memref<1x8x128xf32, #tpu.memory_space<vmem>>, vector<1x1x128xf32>
    %swap3A_250 = vector.shape_cast %swap3A_249 : vector<1x1x128xf32> to vector<128xf32>
    %swap3A_251 = vector.shape_cast %add3A_245 : vector<128xf32> to vector<1x1x128xf32>
    tpu.vector_store %arg6[%swap3A_246, %swap3A_247, %swap3A_248], %swap3A_251 {strides = array<i32>} : memref<1x8x128xf32, #tpu.memory_space<vmem>>, vector<1x1x128xf32>,
    %broadcast_in_dim3A_252 = arith.constant 0.000000e+00 : f32
    %broadcast_in_dim3A_253 = vector.broadcast %broadcast_in_dim3A_252 : f32 to vector<128xf32>
    %add3A_254 = vector.broadcast %reduce_sum3A_191 : f32 to vector<128xf32>
    %add3A_255 = arith.addf %broadcast_in_dim3A_253, %add3A_254 : vector<128xf32>
    %swap3A_256 = arith.constant 0 : index
    %swap3A_257 = arith.constant 6 : index
    %swap3A_258 = arith.constant 0 : index
    %swap3A_259 = vector.load %arg6[%swap3A_256, %swap3A_257, %swap3A_258] : memref<1x8x128xf32, #tpu.memory_space<vmem>>, vector<1x1x128xf32>
    %swap3A_260 = vector.shape_cast %swap3A_259 : vector<1x1x128xf32> to vector<128xf32>
    %swap3A_261 = vector.shape_cast %add3A_255 : vector<128xf32> to vector<1x1x128xf32>
    tpu.vector_store %arg6[%swap3A_256, %swap3A_257, %swap3A_258], %swap3A_261 {strides = array<i32>} : memref<1x8x128xf32, #tpu.memory_space<vmem>>, vector<1x1x128xf32>,
    %broadcast_in_dim3A_262 = arith.constant 0.000000e+00 : f32
    %broadcast_in_dim3A_263 = vector.broadcast %broadcast_in_dim3A_262 : f32 to vector<128xf32>
    %add3A_264 = vector.broadcast %mul3A_193 : f32 to vector<128xf32>
    %add3A_265 = arith.addf %broadcast_in_dim3A_263, %add3A_264 : vector<128xf32>
    %swap3A_266 = arith.constant 0 : index
    %swap3A_267 = arith.constant 7 : index
    %swap3A_268 = arith.constant 0 : index
    %swap3A_269 = vector.load %arg6[%swap3A_266, %swap3A_267, %swap3A_268] : memref<1x8x128xf32, #tpu.memory_space<vmem>>, vector<1x1x128xf32>
    %swap3A_270 = vector.shape_cast %swap3A_269 : vector<1x1x128xf32> to vector<128xf32>
    %swap3A_271 = vector.shape_cast %add3A_265 : vector<128xf32> to vector<1x1x128xf32>
    tpu.vector_store %arg6[%swap3A_266, %swap3A_267, %swap3A_268], %swap3A_271 {strides = array<i32>} : memref<1x8x128xf32, #tpu.memory_space<vmem>>, vector<1x1x128xf32>,
    return
  }
  func.func @transform_0(%arg0: i32) -> (i32, i32, i32) {
    %c0_i32 = arith.constant 0 : i32
    %c0_i32_0 = arith.constant 0 : i32
    %c0_i32_1 = arith.constant 0 : i32
    return %c0_i32, %arg0, %c0_i32_0 : i32, i32, i32
  }
  func.func @transform_1(%arg0: i32) -> (i32, i32, i32) {
    %add3A = arith.constant 25 : i32
    %add3A_0 = arith.addi %arg0, %add3A : i32
    %sub3A = arith.constant 1 : i32
    %sub3A_1 = arith.subi %add3A_0, %sub3A : i32
    %jit3A = arith.constant 25 : i32
    %eq3A = arith.constant 0 : i32
    %eq3A_2 = arith.cmpi eq, %jit3A, %eq3A : i32
    %jit3A_3 = arith.constant 1 : i32
    %select_n3A = arith.select %eq3A_2, %jit3A_3, %jit3A : i32
    %rem3A = arith.remsi %sub3A_1, %select_n3A : i32
    %ne3A = arith.constant 0 : i32
    %ne3A_4 = arith.cmpi ne, %rem3A, %ne3A : i32
    %lt3A = arith.constant 0 : i32
    %lt3A_5 = arith.cmpi slt, %rem3A, %lt3A : i32
    %lt3A_6 = arith.constant 0 : i32
    %lt3A_7 = arith.cmpi slt, %select_n3A, %lt3A_6 : i32
    %ne3A_8 = arith.xori %lt3A_5, %lt3A_7 : i1
    %and3A = arith.andi %ne3A_8, %ne3A_4 : i1
    %add3A_9 = arith.addi %rem3A, %select_n3A : i32
    %select_n3A_10 = arith.select %and3A, %add3A_9, %rem3A : i32
    %c0_i32 = arith.constant 0 : i32
    %c0_i32_11 = arith.constant 0 : i32
    %c0_i32_12 = arith.constant 0 : i32
    return %c0_i32, %select_n3A_10, %c0_i32_11 : i32, i32, i32
  }
  func.func @transform_2(%arg0: i32) -> (i32, i32, i32) {
    %c0_i32 = arith.constant 0 : i32
    %c0_i32_0 = arith.constant 0 : i32
    %c0_i32_1 = arith.constant 0 : i32
    return %c0_i32, %arg0, %c0_i32_0 : i32, i32, i32
  }
  func.func @transform_3(%arg0: i32) -> (i32, i32, i32) {
    %add3A = arith.constant 25 : i32
    %add3A_0 = arith.addi %arg0, %add3A : i32
    %sub3A = arith.constant 1 : i32
    %sub3A_1 = arith.subi %add3A_0, %sub3A : i32
    %jit3A = arith.constant 25 : i32
    %eq3A = arith.constant 0 : i32
    %eq3A_2 = arith.cmpi eq, %jit3A, %eq3A : i32
    %jit3A_3 = arith.constant 1 : i32
    %select_n3A = arith.select %eq3A_2, %jit3A_3, %jit3A : i32
    %rem3A = arith.remsi %sub3A_1, %select_n3A : i32
    %ne3A = arith.constant 0 : i32
    %ne3A_4 = arith.cmpi ne, %rem3A, %ne3A : i32
    %lt3A = arith.constant 0 : i32
    %lt3A_5 = arith.cmpi slt, %rem3A, %lt3A : i32
    %lt3A_6 = arith.constant 0 : i32
    %lt3A_7 = arith.cmpi slt, %select_n3A, %lt3A_6 : i32
    %ne3A_8 = arith.xori %lt3A_5, %lt3A_7 : i1
    %and3A = arith.andi %ne3A_8, %ne3A_4 : i1
    %add3A_9 = arith.addi %rem3A, %select_n3A : i32
    %select_n3A_10 = arith.select %and3A, %add3A_9, %rem3A : i32
    %c0_i32 = arith.constant 0 : i32
    %c0_i32_11 = arith.constant 0 : i32
    %c0_i32_12 = arith.constant 0 : i32
    return %c0_i32, %select_n3A_10, %c0_i32_11 : i32, i32, i32
  }
  func.func @transform_4(%arg0: i32) -> (i32, i32) {
    %c0_i32 = arith.constant 0 : i32
    %c0_i32_0 = arith.constant 0 : i32
    return %arg0, %c0_i32 : i32, i32
  }
  func.func @transform_5(%arg0: i32) -> (i32, i32, i32) {
    %c0_i32 = arith.constant 0 : i32
    %c0_i32_0 = arith.constant 0 : i32
    %c0_i32_1 = arith.constant 0 : i32
    return %arg0, %c0_i32, %c0_i32_0 : i32, i32, i32
  }
}

</mosaic_0001>

<sc_bundles>
// kernel: kernel.10.cloned.1.call-start
scs
__scs_entry_jumppad:
0x0: {  	(pc) =	sbr.rel $0x88, $3  }
0x1: {  	(tag) =	ssettag $0x0;
	lr =	simm.s32 $0x1  }
0x2: {  	[smem:$0x3F99] =	sst lr;
	_ =	strace $0xD0000000  }
0x3: {  	_ = 	snop  }
0x4: {  	_ = 	snop  }
0x5: {  	_ = 	snop  }
0x6: {  	_ = 	snop  }
0x7: {  	_ = 	snop  }
__scs_overlays_trampoline_lowered:
0x8: {  	[smem:$0x3FA8] =	sst s0  }
0x9: {  	[smem:$0x3FA9] =	sst s1  }
0xa: {  	[smem:$0x3FAA] =	sst s2  }
0xb: {  	[smem:$0x3FAB] =	sst s3  }
0xc: {  	[smem:$0x3FAC] =	sst s4  }
0xd: {  	[smem:$0x3FAD] =	sst s5  }
0xe: {  	[smem:$0x3FAE] =	sst s6  }
0xf: {  	[smem:$0x3FAF] =	sst s7  }
0x10: {  	[smem:$0x3FB0] =	sst s8  }
0x11: {  	[smem:$0x3FB1] =	sst s9;
	s0 =	simm.s32 @!p0 $0x0  }
0x12: {  	s1 =	sld [smem:$0x3F97];
	s0 =	simm.s32 @p0 $0x1  }
0x13: {  	[smem:$0x3FB2] =	sst s0;
	s0 =	simm.s32 @!p1 $0x0  }
0x14: {  	s2 =	sld [smem:$0x3F96];
	s0 =	simm.s32 @p1 $0x1  }
0x15: {  	[smem:$0x3FB3] =	sst s0;
	s0 =	simm.s32 @!p2 $0x0  }
0x16: {  	s3 =	sld [smem:$0x3FDB];
	s0 =	simm.s32 @p2 $0x1  }
0x17: {  	s4 =	simm.s32 $0x1BF5;
	[smem:$0x3FB5] =	sst s0  }
0x18: {  	s0 =	sld [smem:$0x3F98];
	_ =	swait.ge [sflag:s4], $0x0  }
0x19: {  	s7 =	sld [smem:$0x3F99]  }
0x1a: {  	s8 =	sadd.s32 $0xFFFFE003, lr  }
0x1b: {  	s9 =	sadd.s32 $0xFFFFFEF7, lr;
	s5 =	simm.s32 $0xFFFFFFFF;
	p2 =	slt.u32 s8, $0xFFFFF086  }
0x1c: {  	p1 =	slt.u32 s9, $0xF7A;
	s5 =	simm.s32 @!p2 $0x0  }
0x1d: {  	s5 =	simm.s32 @p1 $0x1;
	p0 =	seq.s32 s7, s2  }
0x1e: {  	s7 =	smul.u32 @!p0 $0xF7A, s2;
	p2 =	seq.s32 @!p0 s5, $0x0  }
0x1f: {  	s9 =	smul.u32 $0xF7A, s1;
	s8 =	simm.s32 @!p0 $0x1BF5;
	p2 =	por !p2, p0  }
0x20: {  	[sflag:s8] =	ssyncset.s32 @!p0 $0xFFFFF086;
	s6 =	sadd.s32 @!p0 s3, s7;
	s7 =	simm.s32 @!p0 $0x108  }
0x21: {  	s3 =	sadd.s32 s3, s9;
	s6 =	sadd.s32 @!p0 $0x88, s6;
	s7 =	simm.s32 @p2 $0x1082  }
0x22: {  	[simem:s7], [sflag:s8] =	dma.local @!p0 [hbm:s6], $0xF7A  }
0x23: {  	s9 =	sor.u32 $0xD0000000, s2;
	s6 =	simm.s32 $0x108;
	_ =	swait.ge @!p0 [sflag:s8], $0x0  }
0x24: {  	s3 =	sadd.s32 $0x88, s3;
	s6 =	simm.s32 @!p1 $0x1082;
	[sflag:s4] =	ssyncset.s32 $0xFFFFF086  }
0x25: {  	[simem:s6], [sflag:s4] =	dma.local [hbm:s3], $0xF7A  }
0x26: {  	[smem:$0x3F99] =	sst s1;
	(tag) =	ssettag s2;
	_ =	strace s9  }
0x27: {  	s1 =	sld [smem:$0x3FA9]  }
0x28: {  	s2 =	sld [smem:$0x3FAA]  }
0x29: {  	s4 =	sld [smem:$0x3FAC]  }
0x2a: {  	p0 =	seq.s32 s5, $0x0;
	s5 =	sld [smem:$0x3FAD]  }
0x2b: {  	s6 =	sld [smem:$0x3FAE]  }
0x2c: {  	s7 =	sld [smem:$0x3FAF]  }
0x2d: {  	s3 =	simm.s32 $0x108;
	s8 =	sld [smem:$0x3FB0]  }
0x2e: {  	s3 =	simm.s32 @!p0 $0x1082;
	s9 =	sld [smem:$0x3FB1]  }
0x2f: {  	lr =	sadd.s32 s0, s3;
	s0 =	sld [smem:$0x3FA8]  }
0x30: {  	s3 =	sld [smem:$0x3FAB]  }
0x31: {  	[smem:$0x3FB4] =	sst s10  }
0x32: {  	s10 =	sld [smem:$0x3FB2];
	_ =	sdelay $0x3  }
0x33: {  	p0 =	seq.s32 s10, $0x1;
	s10 =	sld [smem:$0x3FB4];
	_ =	sdelay $0x3  }
0x34: {  	[smem:$0x3FB4] =	sst s10  }
0x35: {  	s10 =	sld [smem:$0x3FB3];
	_ =	sdelay $0x3  }
0x36: {  	p1 =	seq.s32 s10, $0x1;
	s10 =	sld [smem:$0x3FB4];
	_ =	sdelay $0x3  }
0x37: {  	[smem:$0x3FB4] =	sst s10  }
0x38: {  	s10 =	sld [smem:$0x3FB5]  }
0x39: {  	_ = 	snop;
	(pc) =	sbr.ind lr, $3  }
0x3a: {  	_ = 	snop  }
0x3b: {  	_ = 	snop  }
0x3c: {  	p2 =	seq.s32 s10, $0x1;
	s10 =	sld [smem:$0x3FB4]  }
0x3d: {  	_ =	shalt  }
0x3e: {  	_ =	shalt  }
0x3f: {  	_ =	shalt  }
0x40: {  	_ =	shalt  }
0x41: {  	_ =	shalt  }
0x42: {  	_ =	shalt  }
0x43: {  	_ =	shalt  }
0x44: {  	_ =	shalt  }
0x45: {  	_ =	shalt  }
0x46: {  	_ =	shalt  }
0x47: {  	_ =	shalt  }
0x48: {  	_ =	shalt  }
0x49: {  	_ =	shalt  }
0x4a: {  	_ =	shalt  }
0x4b: {  	_ =	shalt  }
0x4c: {  	_ =	shalt  }
0x4d: {  	_ =	shalt  }
0x4e: {  	_ =	shalt  }
0x4f: {  	_ =	shalt  }
0x50: {  	_ =	shalt  }
0x51: {  	_ =	shalt  }
0x52: {  	_ =	shalt  }
0x53: {  	_ =	shalt  }
0x54: {  	_ =	shalt  }
0x55: {  	_ =	shalt  }
0x56: {  	_ =	shalt  }
0x57: {  	_ =	shalt  }
0x58: {  	_ =	shalt  }
0x59: {  	_ =	shalt  }
0x5a: {  	_ =	shalt  }
0x5b: {  	_ =	shalt  }
0x5c: {  	_ =	shalt  }
0x5d: {  	_ =	shalt  }
0x5e: {  	_ =	shalt  }
0x5f: {  	_ =	shalt  }
0x60: {  	_ =	shalt  }
0x61: {  	_ =	shalt  }
0x62: {  	_ =	shalt  }
0x63: {  	_ =	shalt  }
0x64: {  	_ =	shalt  }
0x65: {  	_ =	shalt  }
0x66: {  	_ =	shalt  }
0x67: {  	_ =	shalt  }
0x68: {  	_ =	shalt  }
0x69: {  	_ =	shalt  }
0x6a: {  	_ =	shalt  }
0x6b: {  	_ =	shalt  }
0x6c: {  	_ =	shalt  }
0x6d: {  	_ =	shalt  }
0x6e: {  	_ =	shalt  }
0x6f: {  	_ =	shalt  }
0x70: {  	_ =	shalt  }
0x71: {  	_ =	shalt  }
0x72: {  	_ =	shalt  }
0x73: {  	_ =	shalt  }
0x74: {  	_ =	shalt  }
0x75: {  	_ =	shalt  }
0x76: {  	_ =	shalt  }
0x77: {  	_ =	shalt  }
0x78: {  	_ =	shalt  }
0x79: {  	_ =	shalt  }
0x7a: {  	_ =	shalt  }
0x7b: {  	_ =	shalt  }
0x7c: {  	_ =	shalt  }
0x7d: {  	_ =	shalt  }
0x7e: {  	_ =	shalt  }
0x7f: {  	_ =	shalt  }
0x80: {  	_ =	shalt  }
0x81: {  	_ =	shalt  }
0x82: {  	_ =	shalt  }
0x83: {  	_ =	shalt  }
0x84: {  	_ =	shalt  }
0x85: {  	_ =	shalt  }
0x86: {  	_ =	shalt  }
0x87: {  	_ =	shalt  }
.Lfunc_end0:
.L_simem_size_0:
called_computation_lowered:
.L_overlay_start_0:
0x88: {  	s2 =	sld [smem:$0x3FD9]  }
0x89: {  	s3 =	sld [smem:$0x3FFE];
	_ =	sdelay $0x1  }
0x8a: {  	s1 =	srdreg.scid  }
0x8b: {  	s0 =	sand.u32 $0x1, s1  }
0x8c: {  	s17 =	sshll.u32 s0, $0xA;
	s2 =	sadd.s32 s3, s2  }
0x8d: {  	s2 =	sadd.s32 s2, s17  }
0x8e: {  	[smem:$0x3FC0] =	sst s2  }
0x8f: {  	_ = 	snop  }
0x90: {  	(tm) =	ssettm $0x1  }
0x91: {  	s18 =	sld [smem:$0x3FFB];
	_ =	sdelay $0x3  }
0x92: {  	_ =	strace s18  }
0x93: {  	s2 =	sld [smem:$0x3FFC];
	_ =	sdelay $0x3  }
0x94: {  	_ =	strace s2  }
0x95: {  	s2 =	sld [smem:$0x3FFD];
	_ =	sdelay $0x3  }
0x96: {  	_ =	strace s2  }
0x97: {  	_ =	strace $0x8FFFFFFF  }
0x98: {  	s19 =	sld [smem:$0x3FDB];
	_ =	sdelay $0x1  }
0x99: {  	s20 =	simm.s32 $_scs_section_size  }
0x9a: {  	s4 =	simm.s32 $_size__tile_overlayer_lowered;
	s5 =	simm.s32 $_tile_overlayer_lowered  }
0x9b: {  	s6 =	simm.s32 $0x1BFF;
	s21 =	sshll.u32 s5, $0x1;
	s3 =	sadd.s32 s20, s19  }
0x9c: {  	s22 =	simm.s32 $0x0;
	s4 =	sshll.u32 s4, $0x1;
	s5 =	sadd.s32 s21, s3  }
0x9d: {  	[timem:s22], [sflag:s6] =	dma.local [hbm:s5], s4  }
0x9e: {  	_ =	swait.ge [sflag:s6], s4  }
0x9f: {  	s4 =	ssub.s32 $0x0, s4;
	[sflag:s6] =	ssyncset.done $0x0  }
0xa0: {  	[sflag:s6] =	ssyncadd.s32 s4;
	_ =	sdelay $0x1  }
0xa1: {  	s23 =	simm.s32 $0x1B8B  }
0xa2: {  	_ =	swait.ge [sflag:s23], $0x1  }
0xa3: {  	[sflag:s23] =	ssyncset.done $0x0  }
0xa4: {  	[sflag:s23] =	ssyncadd.s32 $0xFFFFFFFF  }
0xa5: {  	s4 =	sld [smem:$0x0]  }
0xa6: {  	s5 =	sand.u32 $0xFFFFFFFE, s1  }
0xa7: {  	p0 =	sne.s32 s1, s5  }
0xa8: {  	s5 =	sshll.u32 @p0 s5, $0xE  }
0xa9: {  	s5 =	sadd.s32 @p0 $0x11B8D, s5;
	s6 =	sshll.u32 @p0 s4, $0x11  }
0xaa: {  	s5 =	sor.u32 @p0 s6, s5  }
0xab: {  	[sflag:s5] =	ssyncadd.remote.s32 @p0 $0x1;
	_ =	sdelay $0x1  }
0xac: {  	s5 =	simm.s32 @p0 $0x1B8D  }
0xad: {  	_ =	swait.eq @p0 [sflag:s5], $0x1  }
0xae: {  	[sflag:s5] =	ssyncadd.s32 @p0 $0xFFFFFFFF  }
0xaf: {  	s6 =	sshll.u32 @!p0 s1, $0xE  }
0xb0: {  	s6 =	sor.u32 @!p0 $0x4000, s6;
	s5 =	simm.s32 @!p0 $0x1B8D  }
0xb1: {  	s4 =	sshll.u32 @!p0 s4, $0x11;
	s6 =	sadd.s32 @!p0 $0x11B8D, s6;
	_ =	swait.eq @!p0 [sflag:s5], $0x1  }
0xb2: {  	s4 =	sor.u32 @!p0 s4, s6;
	[sflag:s5] =	ssyncadd.s32 @!p0 $0xFFFFFFFF  }
0xb3: {  	s25 =	simm.s32 $0x1B8E;
	s24 =	sld [smem:$0x3FFE];
	[sflag:s4] =	ssyncadd.remote.s32 @!p0 $0x1  }
0xb4: {  	s26 =	simm.s32 $execute0_lowered;
	[smem:$0x3FD2] =	sst s25  }
0xb5: {  	s5 =	sshll.u32 s26, $0x1;
	_ =	strace $0x80000049;
	[dreg:$0x1] =	wrdreg $0xFFFFFFFF  }
0xb6: {  	s28 =	simm.s32 $_size_execute0_lowered;
	s3 =	sadd.s32 s3, s5;
	[dreg:$0x0] =	wrdreg $0x0  }
0xb7: {  	s5 =	sshll.u32 s28, $0x1;
	[dreg:$0x2] =	wrdreg s3  }
0xb8: {  	[dreg:$0x3] =	wrdreg s5  }
0xb9: {  	[dreg:$0x4] =	wrdreg $0xC0  }
0xba: {  	_ =	task [dreg:s22], $0x5FFFF  }
0xbb: {  	[dreg:$0x1] =	wrdreg $0xFFFFFFFF  }
0xbc: {  	[dreg:$0x0] =	wrdreg $0x60  }
0xbd: {  	[dreg:$0x2] =	wrdreg s24  }
0xbe: {  	[dreg:$0x3] =	wrdreg $0x48000  }
0xbf: {  	[dreg:$0x4] =	wrdreg $0x9  }
0xc0: {  	_ =	task.clear_ibuf [dreg:s22], $0x5FFFF;
	_ =	strace $0x90000049  }
0xc1: {  	s29 =	simm.s32 $0x9;
	_ =	strace $0x8000004B  }
0xc2: {  	_ =	swait.ge [sflag:s29], $0x1  }
0xc3: {  	[sflag:s29] =	ssyncadd.s32 $0xFFFFFFFF  }
0xc4: {  	_ =	strace $0x9000004B  }
0xc5: {  	_ =	sfence  }
0xc6: {  	s30 =	sld [smem:$0x0];
	_ =	sdelay $0x2  }
0xc7: {  	s31 =	sshll.u32 s1, $0xD;
	s1 =	sshrl.u32 s1, $0x2  }
0xc8: {  	s4 =	sand.u32 $0x4000, s31;
	s1 =	sadd.s32 s1, s30  }
0xc9: {  	s0 =	sor.u32 s4, s0;
	s1 =	sshll.u32 s1, $0x11  }
0xca: {  	s0 =	sor.u32 s1, s0  }
0xcb: {  	s0 =	sadd.s32 $0x8F2B, s0  }
0xcc: {  	[sflag:s0] =	ssyncadd.remote.s32 $0x1  }
0xcd: {  	_ =	sfence.sel $0xFFFF  }
0xce: {  	[dreg:$0x0] =	wrdreg $0xFFFFFFFF;
	(pc) =	sbr.abs _section_cstart, $3  }
0xcf: {  	[dreg:$0x1] =	wrdreg $0xFFFFFFFF  }
0xd0: {  	_ =	task.clear_ibuf [dreg:s22], $0x2FFFF;
	_ =	strace $0x9FFFFFFF  }
0xd1: {  	(tm) =	ssettm $0x7FFFFFFF  }
tec
execute0_lowered:
.L_overlay_start_1:
0x0: {  	(tag) =	ssettag $0x1  }
0x1: {  	s0 =	rddreg [dreg:$0x0];
	s1 =	srdreg.scid  }
0x2: {  	s2 =	rddreg [dreg:$0x1];
	s7 =	stileid.u32  }
0x3: {  	s3 =	simm.s32 $0x0;
	s28 =	simm.s32 $0x400;
	s5 =	smul.u32 $0x280, s7  }
0x4: {  	s29 =	simm.s32 $0x480;
	s30 =	simm.s32 $0x500;
	s18 =	smul.u32 $0x50000, s7  }
0x5: {  	s31 =	simm.s32 $0x580;
	s1 =	sand.u32 $0x1, s1;
	s21 =	smul.u32 $0xA00, s7  }
0x6: {  	[smem:$0x7FF] =	sst s3;
	s8 =	sadd.s32 $0xC8C00, s0;
	s4 =	smul.u32 $0xA000, s1  }
0x7: {  	s19 =	sadd.s32 $0x78400, s0;
	s7 =	simm.s32 $0x0;
	s6 =	smul.u32 $0x2800, s1  }
0x8: {  	_ =	strace $0x8000004A;
	[dreg:$0x3] =	wrdreg s8;
	s1 =	ssub.s32 $0x2, s1  }
0x9: {  	[dreg:$0x4] =	wrdreg s19;
	s19 =	simm.s32 $0x1;
	s20 =	sshrl.u32 s1, $0x1  }
0xa: {  	s4 =	sadd.s32 s4, s0;
	s5 =	sadd.s32 s5, s6;
	s6 =	sshrl.u32 s18, $0x2  }
0xb: {  	s1 =	ssub.s32 s1, s20;
	s18 =	simm.s32 $0x800;
	s20 =	simm.s32 $0x80  }
0xc: {  	s5 =	sshll.u32 s5, $0x4;
	s6 =	sadd.s32 s6, s2;
	s1 =	smax.u32 s1, $0x1  }
0xd: {  	s25 =	sadd.s32 s21, s4;
	s21 =	simm.s32 $0x100;
	s4 =	simm.s32 $0x700  }
0xe: {  	s0 =	sadd.s32 s5, s0;
	[dreg:$0x5] =	wrdreg s1;
	s8 =	sadd.s32 $0x4000, s6  }
0xf: {  	s9 =	sadd.s32 $0x8000, s6;
	s10 =	sadd.s32 $0xC000, s6;
	s11 =	sadd.s32 $0x10000, s6  }
0x10: {  	s17 =	sadd.s32 $0x50400, s25;
	s25 =	simm.s32 $0x300;
	s22 =	sadd.s32 $0xC9400, s0  }
0x11: {  	s1 =	simm.s32 $0x680;
	s23 =	sadd.s32 $0xC9C00, s0;
	[dreg:$0x6] =	wrdreg s22  }
0x12: {  	s5 =	simm.s32 $0x780;
	s24 =	sadd.s32 $0xCA400, s0;
	[dreg:$0x7] =	wrdreg s23  }
0x13: {  	s26 =	sadd.s32 $0xCAC00, s0;
	s16 =	sadd.s32 $0xCB400, s0;
	[dreg:$0x8] =	wrdreg s24  }
0x14: {  	s0 =	simm.s32 $0x600;
	[dreg:$0x9] =	wrdreg s26;
	s22 =	simm.s32 $0x180  }
0x15: {  	s23 =	simm.s32 $0x200;
	s24 =	simm.s32 $0x280;
	s26 =	simm.s32 $0x380  }
.LBB2_1:
0x16: {  	s12 =	rddreg [dreg:$0x4]  }
0x17: {  	[tilespmem:s18], [sflag:$0x1] =	stream.linear.gather [hbm4b:s12+s3], $0x4000, $0x38;
	[tilespmem:$0x18800] =	vst v63  }
0x18: {  	_ =	swait.ge [sflag:s19], $0x4000  }
0x19: {  	[sflag:s19] =	ssyncset.done $0x0  }
0x1a: {  	[sflag:s19] =	ssyncadd.s32 $0xFFFFC000  }
0x1b: {  	[spmem:s6] =	stream.linear.scatter [tilespmem:s18], [sflag:$0x1], $0x4000, $0x38;
	[tilespmem:$0x18800] =	vst v63  }
0x1c: {  	_ =	swait.ge [sflag:s19], $0x4000  }
0x1d: {  	[sflag:s19] =	ssyncset.done $0x0  }
0x1e: {  	[sflag:s19] =	ssyncadd.s32 $0xFFFFC000  }
0x1f: {  	[spmem:s8] =	stream.linear.scatter [tilespmem:s18], [sflag:$0x1], $0x4000, $0x38;
	[tilespmem:$0x18800] =	vst v63  }
0x20: {  	_ =	swait.ge [sflag:s19], $0x4000  }
0x21: {  	[sflag:s19] =	ssyncset.done $0x0  }
0x22: {  	[sflag:s19] =	ssyncadd.s32 $0xFFFFC000  }
0x23: {  	[spmem:s9] =	stream.linear.scatter [tilespmem:s18], [sflag:$0x1], $0x4000, $0x38;
	[tilespmem:$0x18800] =	vst v63  }
0x24: {  	_ =	swait.ge [sflag:s19], $0x4000  }
0x25: {  	[sflag:s19] =	ssyncset.done $0x0  }
0x26: {  	[sflag:s19] =	ssyncadd.s32 $0xFFFFC000  }
0x27: {  	[spmem:s10] =	stream.linear.scatter [tilespmem:s18], [sflag:$0x1], $0x4000, $0x38;
	[tilespmem:$0x18800] =	vst v63  }
0x28: {  	_ =	swait.ge [sflag:s19], $0x4000  }
0x29: {  	[sflag:s19] =	ssyncset.done $0x0  }
0x2a: {  	[sflag:s19] =	ssyncadd.s32 $0xFFFFC000  }
0x2b: {  	[spmem:s11] =	stream.linear.scatter [tilespmem:s18], [sflag:$0x1], $0x4000, $0x38;
	[tilespmem:$0x18800] =	vst v63  }
0x2c: {  	_ =	swait.ge [sflag:s19], $0x4000  }
0x2d: {  	[sflag:s19] =	ssyncset.done $0x0  }
0x2e: {  	[sflag:s19] =	ssyncadd.s32 $0xFFFFC000  }
0x2f: {  	[bflag:$0x0] =	sbarrier.arrive $0xFFFF  }
0x30: {  	s14 =	rddreg [dreg:$0x3]  }
0x31: {  	[tilespmem:s18], [sflag:$0x1] =	stream.linear.gather [hbm4b:s14+s3], $0x4000, $0x38;
	[tilespmem:$0x18800] =	vst v63  }
0x32: {  	_ =	swait.ge [sflag:s19], $0x4000  }
0x33: {  	[sflag:s19] =	ssyncset.done $0x0  }
0x34: {  	s15 =	sadd.s32 $0x0, s17;
	[sflag:s19] =	ssyncadd.s32 $0xFFFFC000  }
0x35: {  	[tilespmem:s3], [sflag:$0x1] =	stream.linear.gather [hbm4b:s15+s3], $0x800, $0x38;
	[tilespmem:$0x18800] =	vst v63  }
0x36: {  	_ =	swait.ge [sflag:s19], $0x800  }
0x37: {  	[sflag:s19] =	ssyncset.done $0x0  }
0x38: {  	[sflag:s19] =	ssyncadd.s32 $0xFFFFF800  }
0x39: {  	[spmem:s2] =	stream.indirect.scatter.add.f32 [tilespmem:s18], [sflag:$0x1], $0x80, s3, s20, $0xb8;
	[tilespmem:$0x18800] =	vst v63  }
0x3a: {  	_ =	swait.ge [sflag:s19], $0x4000  }
0x3b: {  	[sflag:s19] =	ssyncset.done $0x0  }
0x3c: {  	[sflag:s19] =	ssyncadd.s32 $0xFFFFC000  }
0x3d: {  	[spmem:s2] =	stream.indirect.scatter.add.f32 [tilespmem:s18], [sflag:$0x1], $0x80, s20, s20, $0xb8;
	[tilespmem:$0x18800] =	vst v63  }
0x3e: {  	_ =	swait.ge [sflag:s19], $0x4000  }
0x3f: {  	[sflag:s19] =	ssyncset.done $0x0  }
0x40: {  	[sflag:s19] =	ssyncadd.s32 $0xFFFFC000  }
0x41: {  	[spmem:s2] =	stream.indirect.scatter.add.f32 [tilespmem:s18], [sflag:$0x1], $0x80, s21, s20, $0xb8;
	[tilespmem:$0x18800] =	vst v63  }
0x42: {  	_ =	swait.ge [sflag:s19], $0x4000  }
0x43: {  	[sflag:s19] =	ssyncset.done $0x0  }
0x44: {  	[sflag:s19] =	ssyncadd.s32 $0xFFFFC000  }
0x45: {  	[spmem:s2] =	stream.indirect.scatter.add.f32 [tilespmem:s18], [sflag:$0x1], $0x80, s22, s20, $0xb8;
	[tilespmem:$0x18800] =	vst v63  }
0x46: {  	_ =	swait.ge [sflag:s19], $0x4000  }
0x47: {  	[sflag:s19] =	ssyncset.done $0x0  }
0x48: {  	[sflag:s19] =	ssyncadd.s32 $0xFFFFC000  }
0x49: {  	[spmem:s2] =	stream.indirect.scatter.add.f32 [tilespmem:s18], [sflag:$0x1], $0x80, s23, s20, $0xb8;
	[tilespmem:$0x18800] =	vst v63  }
0x4a: {  	_ =	swait.ge [sflag:s19], $0x4000  }
0x4b: {  	[sflag:s19] =	ssyncset.done $0x0  }
0x4c: {  	[sflag:s19] =	ssyncadd.s32 $0xFFFFC000  }
0x4d: {  	[spmem:s2] =	stream.indirect.scatter.add.f32 [tilespmem:s18], [sflag:$0x1], $0x80, s24, s20, $0xb8;
	[tilespmem:$0x18800] =	vst v63  }
0x4e: {  	_ =	swait.ge [sflag:s19], $0x4000  }
0x4f: {  	[sflag:s19] =	ssyncset.done $0x0  }
0x50: {  	[sflag:s19] =	ssyncadd.s32 $0xFFFFC000  }
0x51: {  	[spmem:s2] =	stream.indirect.scatter.add.f32 [tilespmem:s18], [sflag:$0x1], $0x80, s25, s20, $0xb8;
	[tilespmem:$0x18800] =	vst v63  }
0x52: {  	_ =	swait.ge [sflag:s19], $0x4000  }
0x53: {  	[sflag:s19] =	ssyncset.done $0x0  }
0x54: {  	[sflag:s19] =	ssyncadd.s32 $0xFFFFC000  }
0x55: {  	[spmem:s2] =	stream.indirect.scatter.add.f32 [tilespmem:s18], [sflag:$0x1], $0x80, s26, s20, $0xb8;
	[tilespmem:$0x18800] =	vst v63  }
0x56: {  	_ =	swait.ge [sflag:s19], $0x4000  }
0x57: {  	[sflag:s19] =	ssyncset.done $0x0  }
0x58: {  	[sflag:s19] =	ssyncadd.s32 $0xFFFFC000  }
0x59: {  	[spmem:s2] =	stream.indirect.scatter.add.f32 [tilespmem:s18], [sflag:$0x1], $0x80, s28, s20, $0xb8;
	[tilespmem:$0x18800] =	vst v63  }
0x5a: {  	_ =	swait.ge [sflag:s19], $0x4000  }
0x5b: {  	[sflag:s19] =	ssyncset.done $0x0  }
0x5c: {  	[sflag:s19] =	ssyncadd.s32 $0xFFFFC000  }
0x5d: {  	[spmem:s2] =	stream.indirect.scatter.add.f32 [tilespmem:s18], [sflag:$0x1], $0x80, s29, s20, $0xb8;
	[tilespmem:$0x18800] =	vst v63  }
0x5e: {  	_ =	swait.ge [sflag:s19], $0x4000  }
0x5f: {  	[sflag:s19] =	ssyncset.done $0x0  }
0x60: {  	[sflag:s19] =	ssyncadd.s32 $0xFFFFC000  }
0x61: {  	[spmem:s2] =	stream.indirect.scatter.add.f32 [tilespmem:s18], [sflag:$0x1], $0x80, s30, s20, $0xb8;
	[tilespmem:$0x18800] =	vst v63  }
0x62: {  	_ =	swait.ge [sflag:s19], $0x4000  }
0x63: {  	[sflag:s19] =	ssyncset.done $0x0  }
0x64: {  	[sflag:s19] =	ssyncadd.s32 $0xFFFFC000  }
0x65: {  	[spmem:s2] =	stream.indirect.scatter.add.f32 [tilespmem:s18], [sflag:$0x1], $0x80, s31, s20, $0xb8;
	[tilespmem:$0x18800] =	vst v63  }
0x66: {  	_ =	swait.ge [sflag:s19], $0x4000  }
0x67: {  	[sflag:s19] =	ssyncset.done $0x0  }
0x68: {  	[sflag:s19] =	ssyncadd.s32 $0xFFFFC000  }
0x69: {  	[spmem:s2] =	stream.indirect.scatter.add.f32 [tilespmem:s18], [sflag:$0x1], $0x80, s0, s20, $0xb8;
	[tilespmem:$0x18800] =	vst v63  }
0x6a: {  	_ =	swait.ge [sflag:s19], $0x4000  }
0x6b: {  	[sflag:s19] =	ssyncset.done $0x0  }
0x6c: {  	[sflag:s19] =	ssyncadd.s32 $0xFFFFC000  }
0x6d: {  	[spmem:s2] =	stream.indirect.scatter.add.f32 [tilespmem:s18], [sflag:$0x1], $0x80, s1, s20, $0xb8;
	[tilespmem:$0x18800] =	vst v63  }
0x6e: {  	_ =	swait.ge [sflag:s19], $0x4000  }
0x6f: {  	[sflag:s19] =	ssyncset.done $0x0  }
0x70: {  	[sflag:s19] =	ssyncadd.s32 $0xFFFFC000  }
0x71: {  	[spmem:s2] =	stream.indirect.scatter.add.f32 [tilespmem:s18], [sflag:$0x1], $0x80, s4, s20, $0xb8;
	[tilespmem:$0x18800] =	vst v63  }
0x72: {  	_ =	swait.ge [sflag:s19], $0x4000  }
0x73: {  	[sflag:s19] =	ssyncset.done $0x0  }
0x74: {  	[sflag:s19] =	ssyncadd.s32 $0xFFFFC000  }
0x75: {  	[spmem:s2] =	stream.indirect.scatter.add.f32 [tilespmem:s18], [sflag:$0x1], $0x80, s5, s20, $0xb8;
	[tilespmem:$0x18800] =	vst v63  }
0x76: {  	_ =	swait.ge [sflag:s19], $0x4000  }
0x77: {  	s13 =	simm.s32 $0x200;
	s12 =	simm.s32 $0x100;
	[sflag:s19] =	ssyncset.done $0x0  }
.LBB2_2:
0x78: {  	s15 =	sadd.s32 s12, s17  }
0x79: {  	[sflag:s19] =	ssyncadd.s32 $0xFFFFC000;
	s12 =	smov.u32 s13;
	s14 =	sadd.s32 $0x100, s13  }
0x7a: {  	[tilespmem:s3], [sflag:$0x1] =	stream.linear.gather [hbm4b:s15+s3], $0x800, $0x38;
	[tilespmem:$0x18800] =	vst v63  }
0x7b: {  	p0 =	sne.s32 s13, $0x900;
	_ =	swait.ge [sflag:s19], $0x800  }
0x7c: {  	[sflag:s19] =	ssyncset.done $0x0  }
0x7d: {  	[sflag:s19] =	ssyncadd.s32 $0xFFFFF800  }
0x7e: {  	[spmem:s2] =	stream.indirect.scatter.add.f32 [tilespmem:s18], [sflag:$0x1], $0x80, s3, s20, $0xb8;
	[tilespmem:$0x18800] =	vst v63  }
0x7f: {  	_ =	swait.ge [sflag:s19], $0x4000  }
0x80: {  	[sflag:s19] =	ssyncset.done $0x0  }
0x81: {  	[sflag:s19] =	ssyncadd.s32 $0xFFFFC000  }
0x82: {  	[spmem:s2] =	stream.indirect.scatter.add.f32 [tilespmem:s18], [sflag:$0x1], $0x80, s20, s20, $0xb8;
	[tilespmem:$0x18800] =	vst v63  }
0x83: {  	_ =	swait.ge [sflag:s19], $0x4000  }
0x84: {  	[sflag:s19] =	ssyncset.done $0x0  }
0x85: {  	[sflag:s19] =	ssyncadd.s32 $0xFFFFC000  }
0x86: {  	[spmem:s2] =	stream.indirect.scatter.add.f32 [tilespmem:s18], [sflag:$0x1], $0x80, s21, s20, $0xb8;
	[tilespmem:$0x18800] =	vst v63  }
0x87: {  	_ =	swait.ge [sflag:s19], $0x4000  }
0x88: {  	[sflag:s19] =	ssyncset.done $0x0  }
0x89: {  	[sflag:s19] =	ssyncadd.s32 $0xFFFFC000  }
0x8a: {  	[spmem:s2] =	stream.indirect.scatter.add.f32 [tilespmem:s18], [sflag:$0x1], $0x80, s22, s20, $0xb8;
	[tilespmem:$0x18800] =	vst v63  }
0x8b: {  	_ =	swait.ge [sflag:s19], $0x4000  }
0x8c: {  	[sflag:s19] =	ssyncset.done $0x0  }
0x8d: {  	[sflag:s19] =	ssyncadd.s32 $0xFFFFC000  }
0x8e: {  	[spmem:s2] =	stream.indirect.scatter.add.f32 [tilespmem:s18], [sflag:$0x1], $0x80, s23, s20, $0xb8;
	[tilespmem:$0x18800] =	vst v63  }
0x8f: {  	_ =	swait.ge [sflag:s19], $0x4000  }
0x90: {  	[sflag:s19] =	ssyncset.done $0x0  }
0x91: {  	[sflag:s19] =	ssyncadd.s32 $0xFFFFC000  }
0x92: {  	[spmem:s2] =	stream.indirect.scatter.add.f32 [tilespmem:s18], [sflag:$0x1], $0x80, s24, s20, $0xb8;
	[tilespmem:$0x18800] =	vst v63  }
0x93: {  	_ =	swait.ge [sflag:s19], $0x4000  }
0x94: {  	[sflag:s19] =	ssyncset.done $0x0  }
0x95: {  	[sflag:s19] =	ssyncadd.s32 $0xFFFFC000  }
0x96: {  	[spmem:s2] =	stream.indirect.scatter.add.f32 [tilespmem:s18], [sflag:$0x1], $0x80, s25, s20, $0xb8;
	[tilespmem:$0x18800] =	vst v63  }
0x97: {  	_ =	swait.ge [sflag:s19], $0x4000  }
0x98: {  	[sflag:s19] =	ssyncset.done $0x0  }
0x99: {  	[sflag:s19] =	ssyncadd.s32 $0xFFFFC000  }
0x9a: {  	[spmem:s2] =	stream.indirect.scatter.add.f32 [tilespmem:s18], [sflag:$0x1], $0x80, s26, s20, $0xb8;
	[tilespmem:$0x18800] =	vst v63  }
0x9b: {  	_ =	swait.ge [sflag:s19], $0x4000  }
0x9c: {  	[sflag:s19] =	ssyncset.done $0x0  }
0x9d: {  	[sflag:s19] =	ssyncadd.s32 $0xFFFFC000  }
0x9e: {  	[spmem:s2] =	stream.indirect.scatter.add.f32 [tilespmem:s18], [sflag:$0x1], $0x80, s28, s20, $0xb8;
	[tilespmem:$0x18800] =	vst v63  }
0x9f: {  	_ =	swait.ge [sflag:s19], $0x4000  }
0xa0: {  	[sflag:s19] =	ssyncset.done $0x0  }
0xa1: {  	[sflag:s19] =	ssyncadd.s32 $0xFFFFC000  }
0xa2: {  	[spmem:s2] =	stream.indirect.scatter.add.f32 [tilespmem:s18], [sflag:$0x1], $0x80, s29, s20, $0xb8;
	[tilespmem:$0x18800] =	vst v63  }
0xa3: {  	_ =	swait.ge [sflag:s19], $0x4000  }
0xa4: {  	[sflag:s19] =	ssyncset.done $0x0  }
0xa5: {  	[sflag:s19] =	ssyncadd.s32 $0xFFFFC000  }
0xa6: {  	[spmem:s2] =	stream.indirect.scatter.add.f32 [tilespmem:s18], [sflag:$0x1], $0x80, s30, s20, $0xb8;
	[tilespmem:$0x18800] =	vst v63  }
0xa7: {  	_ =	swait.ge [sflag:s19], $0x4000  }
0xa8: {  	[sflag:s19] =	ssyncset.done $0x0  }
0xa9: {  	[sflag:s19] =	ssyncadd.s32 $0xFFFFC000  }
0xaa: {  	[spmem:s2] =	stream.indirect.scatter.add.f32 [tilespmem:s18], [sflag:$0x1], $0x80, s31, s20, $0xb8;
	[tilespmem:$0x18800] =	vst v63  }
0xab: {  	_ =	swait.ge [sflag:s19], $0x4000  }
0xac: {  	[sflag:s19] =	ssyncset.done $0x0  }
0xad: {  	[sflag:s19] =	ssyncadd.s32 $0xFFFFC000  }
0xae: {  	[spmem:s2] =	stream.indirect.scatter.add.f32 [tilespmem:s18], [sflag:$0x1], $0x80, s0, s20, $0xb8;
	[tilespmem:$0x18800] =	vst v63  }
0xaf: {  	_ =	swait.ge [sflag:s19], $0x4000  }
0xb0: {  	[sflag:s19] =	ssyncset.done $0x0  }
0xb1: {  	[sflag:s19] =	ssyncadd.s32 $0xFFFFC000  }
0xb2: {  	[spmem:s2] =	stream.indirect.scatter.add.f32 [tilespmem:s18], [sflag:$0x1], $0x80, s1, s20, $0xb8;
	[tilespmem:$0x18800] =	vst v63  }
0xb3: {  	_ =	swait.ge [sflag:s19], $0x4000  }
0xb4: {  	[sflag:s19] =	ssyncset.done $0x0  }
0xb5: {  	[sflag:s19] =	ssyncadd.s32 $0xFFFFC000  }
0xb6: {  	[spmem:s2] =	stream.indirect.scatter.add.f32 [tilespmem:s18], [sflag:$0x1], $0x80, s4, s20, $0xb8;
	[tilespmem:$0x18800] =	vst v63  }
0xb7: {  	_ =	swait.ge [sflag:s19], $0x4000  }
.Ltmp0:
0xb8: {  	[sflag:s19] =	ssyncset.done $0x0;
	(pc) =	sbr.rel @p0 .LBB2_2-.Ltmp0, $4  }
0xb9: {  	[sflag:s19] =	ssyncadd.s32 $0xFFFFC000  }
0xba: {  	[spmem:s2] =	stream.indirect.scatter.add.f32 [tilespmem:s18], [sflag:$0x1], $0x80, s5, s20, $0xb8;
	[tilespmem:$0x18800] =	vst v63  }
0xbb: {  	_ =	swait.ge [sflag:s19], $0x4000  }
0xbc: {  	s13 =	smov.u32 s14;
	[sflag:s19] =	ssyncset.done $0x0  }
0xbd: {  	s12 =	sadd.s32 s12, s17;
	[sflag:s19] =	ssyncadd.s32 $0xFFFFC000  }
0xbe: {  	[tilespmem:s3], [sflag:$0x1] =	stream.linear.gather [hbm4b:s12+s3], $0x800, $0x38;
	[tilespmem:$0x18800] =	vst v63  }
0xbf: {  	_ =	swait.ge [sflag:s19], $0x800  }
0xc0: {  	[sflag:s19] =	ssyncset.done $0x0  }
0xc1: {  	[sflag:s19] =	ssyncadd.s32 $0xFFFFF800  }
0xc2: {  	[spmem:s2] =	stream.indirect.scatter.add.f32 [tilespmem:s18], [sflag:$0x1], $0x80, s3, s20, $0xb8;
	[tilespmem:$0x18800] =	vst v63  }
0xc3: {  	_ =	swait.ge [sflag:s19], $0x4000  }
0xc4: {  	[sflag:s19] =	ssyncset.done $0x0  }
0xc5: {  	[sflag:s19] =	ssyncadd.s32 $0xFFFFC000  }
0xc6: {  	[spmem:s2] =	stream.indirect.scatter.add.f32 [tilespmem:s18], [sflag:$0x1], $0x80, s20, s20, $0xb8;
	[tilespmem:$0x18800] =	vst v63  }
0xc7: {  	_ =	swait.ge [sflag:s19], $0x4000  }
0xc8: {  	[sflag:s19] =	ssyncset.done $0x0  }
0xc9: {  	[sflag:s19] =	ssyncadd.s32 $0xFFFFC000  }
0xca: {  	[spmem:s2] =	stream.indirect.scatter.add.f32 [tilespmem:s18], [sflag:$0x1], $0x80, s21, s20, $0xb8;
	[tilespmem:$0x18800] =	vst v63  }
0xcb: {  	_ =	swait.ge [sflag:s19], $0x4000  }
0xcc: {  	[sflag:s19] =	ssyncset.done $0x0  }
0xcd: {  	[sflag:s19] =	ssyncadd.s32 $0xFFFFC000  }
0xce: {  	[spmem:s2] =	stream.indirect.scatter.add.f32 [tilespmem:s18], [sflag:$0x1], $0x80, s22, s20, $0xb8;
	[tilespmem:$0x18800] =	vst v63  }
0xcf: {  	_ =	swait.ge [sflag:s19], $0x4000  }
0xd0: {  	[sflag:s19] =	ssyncset.done $0x0  }
0xd1: {  	[sflag:s19] =	ssyncadd.s32 $0xFFFFC000  }
0xd2: {  	[spmem:s2] =	stream.indirect.scatter.add.f32 [tilespmem:s18], [sflag:$0x1], $0x80, s23, s20, $0xb8;
	[tilespmem:$0x18800] =	vst v63  }
0xd3: {  	_ =	swait.ge [sflag:s19], $0x4000  }
0xd4: {  	[sflag:s19] =	ssyncset.done $0x0  }
0xd5: {  	[sflag:s19] =	ssyncadd.s32 $0xFFFFC000  }
0xd6: {  	[spmem:s2] =	stream.indirect.scatter.add.f32 [tilespmem:s18], [sflag:$0x1], $0x80, s24, s20, $0xb8;
	[tilespmem:$0x18800] =	vst v63  }
0xd7: {  	_ =	swait.ge [sflag:s19], $0x4000  }
0xd8: {  	[sflag:s19] =	ssyncset.done $0x0  }
0xd9: {  	[sflag:s19] =	ssyncadd.s32 $0xFFFFC000  }
0xda: {  	[spmem:s2] =	stream.indirect.scatter.add.f32 [tilespmem:s18], [sflag:$0x1], $0x80, s25, s20, $0xb8;
	[tilespmem:$0x18800] =	vst v63  }
0xdb: {  	_ =	swait.ge [sflag:s19], $0x4000  }
0xdc: {  	[sflag:s19] =	ssyncset.done $0x0  }
0xdd: {  	[sflag:s19] =	ssyncadd.s32 $0xFFFFC000  }
0xde: {  	[spmem:s2] =	stream.indirect.scatter.add.f32 [tilespmem:s18], [sflag:$0x1], $0x80, s26, s20, $0xb8;
	[tilespmem:$0x18800] =	vst v63  }
0xdf: {  	_ =	swait.ge [sflag:s19], $0x4000  }
0xe0: {  	[sflag:s19] =	ssyncset.done $0x0  }
0xe1: {  	[sflag:s19] =	ssyncadd.s32 $0xFFFFC000  }
0xe2: {  	[spmem:s2] =	stream.indirect.scatter.add.f32 [tilespmem:s18], [sflag:$0x1], $0x80, s28, s20, $0xb8;
	[tilespmem:$0x18800] =	vst v63  }
0xe3: {  	_ =	swait.ge [sflag:s19], $0x4000  }
0xe4: {  	[sflag:s19] =	ssyncset.done $0x0  }
0xe5: {  	[sflag:s19] =	ssyncadd.s32 $0xFFFFC000  }
0xe6: {  	[spmem:s2] =	stream.indirect.scatter.add.f32 [tilespmem:s18], [sflag:$0x1], $0x80, s29, s20, $0xb8;
	[tilespmem:$0x18800] =	vst v63  }
0xe7: {  	_ =	swait.ge [sflag:s19], $0x4000  }
0xe8: {  	[sflag:s19] =	ssyncset.done $0x0  }
0xe9: {  	[sflag:s19] =	ssyncadd.s32 $0xFFFFC000  }
0xea: {  	[spmem:s2] =	stream.indirect.scatter.add.f32 [tilespmem:s18], [sflag:$0x1], $0x80, s30, s20, $0xb8;
	[tilespmem:$0x18800] =	vst v63  }
0xeb: {  	_ =	swait.ge [sflag:s19], $0x4000  }
0xec: {  	[sflag:s19] =	ssyncset.done $0x0  }
0xed: {  	[sflag:s19] =	ssyncadd.s32 $0xFFFFC000  }
0xee: {  	[spmem:s2] =	stream.indirect.scatter.add.f32 [tilespmem:s18], [sflag:$0x1], $0x80, s31, s20, $0xb8;
	[tilespmem:$0x18800] =	vst v63  }
0xef: {  	_ =	swait.ge [sflag:s19], $0x4000  }
0xf0: {  	[sflag:s19] =	ssyncset.done $0x0  }
0xf1: {  	[sflag:s19] =	ssyncadd.s32 $0xFFFFC000  }
0xf2: {  	[spmem:s2] =	stream.indirect.scatter.add.f32 [tilespmem:s18], [sflag:$0x1], $0x80, s0, s20, $0xb8;
	[tilespmem:$0x18800] =	vst v63  }
0xf3: {  	_ =	swait.ge [sflag:s19], $0x4000  }
0xf4: {  	[sflag:s19] =	ssyncset.done $0x0  }
0xf5: {  	[sflag:s19] =	ssyncadd.s32 $0xFFFFC000  }
0xf6: {  	[spmem:s2] =	stream.indirect.scatter.add.f32 [tilespmem:s18], [sflag:$0x1], $0x80, s1, s20, $0xb8;
	[tilespmem:$0x18800] =	vst v63  }
0xf7: {  	_ =	swait.ge [sflag:s19], $0x4000  }
0xf8: {  	[sflag:s19] =	ssyncset.done $0x0  }
0xf9: {  	[sflag:s19] =	ssyncadd.s32 $0xFFFFC000  }
0xfa: {  	[spmem:s2] =	stream.indirect.scatter.add.f32 [tilespmem:s18], [sflag:$0x1], $0x80, s4, s20, $0xb8;
	[tilespmem:$0x18800] =	vst v63  }
0xfb: {  	_ =	swait.ge [sflag:s19], $0x4000  }
0xfc: {  	[sflag:s19] =	ssyncset.done $0x0  }
0xfd: {  	[sflag:s19] =	ssyncadd.s32 $0xFFFFC000  }
0xfe: {  	[spmem:s2] =	stream.indirect.scatter.add.f32 [tilespmem:s18], [sflag:$0x1], $0x80, s5, s20, $0xb8;
	[tilespmem:$0x18800] =	vst v63  }
0xff: {  	_ =	swait.ge [sflag:s19], $0x4000  }
0x100: {  	[sflag:s19] =	ssyncset.done $0x0  }
0x101: {  	[sflag:s19] =	ssyncadd.s32 $0xFFFFC000  }
0x102: {  	[bflag:$0x0] =	sbarrier.arrive $0xFFFF  }
0x103: {  	[tilespmem:s18], [sflag:$0x1] =	stream.linear.gather [spmem:s6], $0x4000, $0x38;
	[tilespmem:$0x18800] =	vst v63  }
0x104: {  	_ =	swait.ge [sflag:s19], $0x4000  }
0x105: {  	[sflag:s19] =	ssyncset.done $0x0  }
0x106: {  	s14 =	rddreg [dreg:$0x6];
	[sflag:s19] =	ssyncadd.s32 $0xFFFFC000  }
0x107: {  	[hbm4b:s14+s3] =	stream.linear.scatter [tilespmem:s18], [sflag:$0x1], $0x4000, $0x38;
	[tilespmem:$0x18800] =	vst v63  }
0x108: {  	_ =	swait.ge [sflag:s19], $0x4000  }
0x109: {  	[sflag:s19] =	ssyncset.done $0x0  }
0x10a: {  	[sflag:s19] =	ssyncadd.s32 $0xFFFFC000  }
0x10b: {  	[tilespmem:s18], [sflag:$0x1] =	stream.linear.gather [spmem:s8], $0x4000, $0x38;
	[tilespmem:$0x18800] =	vst v63  }
0x10c: {  	_ =	swait.ge [sflag:s19], $0x4000  }
0x10d: {  	[sflag:s19] =	ssyncset.done $0x0  }
0x10e: {  	s15 =	rddreg [dreg:$0x7];
	[sflag:s19] =	ssyncadd.s32 $0xFFFFC000  }
0x10f: {  	[hbm4b:s15+s3] =	stream.linear.scatter [tilespmem:s18], [sflag:$0x1], $0x4000, $0x38;
	[tilespmem:$0x18800] =	vst v63  }
0x110: {  	_ =	swait.ge [sflag:s19], $0x4000  }
0x111: {  	[sflag:s19] =	ssyncset.done $0x0  }
0x112: {  	[sflag:s19] =	ssyncadd.s32 $0xFFFFC000  }
0x113: {  	[tilespmem:s18], [sflag:$0x1] =	stream.linear.gather [spmem:s9], $0x4000, $0x38;
	[tilespmem:$0x18800] =	vst v63  }
0x114: {  	_ =	swait.ge [sflag:s19], $0x4000  }
0x115: {  	[sflag:s19] =	ssyncset.done $0x0  }
0x116: {  	s13 =	rddreg [dreg:$0x8];
	[sflag:s19] =	ssyncadd.s32 $0xFFFFC000  }
0x117: {  	[hbm4b:s13+s3] =	stream.linear.scatter [tilespmem:s18], [sflag:$0x1], $0x4000, $0x38;
	[tilespmem:$0x18800] =	vst v63  }
0x118: {  	_ =	swait.ge [sflag:s19], $0x4000  }
0x119: {  	[sflag:s19] =	ssyncset.done $0x0  }
0x11a: {  	[sflag:s19] =	ssyncadd.s32 $0xFFFFC000  }
0x11b: {  	[tilespmem:s18], [sflag:$0x1] =	stream.linear.gather [spmem:s10], $0x4000, $0x38;
	[tilespmem:$0x18800] =	vst v63  }
0x11c: {  	_ =	swait.ge [sflag:s19], $0x4000  }
0x11d: {  	[sflag:s19] =	ssyncset.done $0x0  }
0x11e: {  	s14 =	rddreg [dreg:$0x9];
	[sflag:s19] =	ssyncadd.s32 $0xFFFFC000  }
0x11f: {  	[hbm4b:s14+s3] =	stream.linear.scatter [tilespmem:s18], [sflag:$0x1], $0x4000, $0x38;
	[tilespmem:$0x18800] =	vst v63  }
0x120: {  	_ =	swait.ge [sflag:s19], $0x4000  }
0x121: {  	[sflag:s19] =	ssyncset.done $0x0  }
0x122: {  	[sflag:s19] =	ssyncadd.s32 $0xFFFFC000  }
0x123: {  	[tilespmem:s18], [sflag:$0x1] =	stream.linear.gather [spmem:s11], $0x4000, $0x38;
	[tilespmem:$0x18800] =	vst v63  }
0x124: {  	_ =	swait.ge [sflag:s19], $0x4000  }
0x125: {  	[sflag:s19] =	ssyncset.done $0x0  }
0x126: {  	[sflag:s19] =	ssyncadd.s32 $0xFFFFC000  }
0x127: {  	[hbm4b:s16+s3] =	stream.linear.scatter [tilespmem:s18], [sflag:$0x1], $0x4000, $0x38;
	[tilespmem:$0x18800] =	vst v63  }
0x128: {  	_ =	swait.ge [sflag:s19], $0x4000  }
0x129: {  	s7 =	sadd.s32 $0x1, s7;
	s15 =	rddreg [dreg:$0x5]  }
0x12a: {  	p0 =	sne.s32 s7, s15  }
.Ltmp1:
0x12b: {  	_ = 	snop;
	(pc) =	sbr.rel @p0 .LBB2_1-.Ltmp1, $3  }
0x12c: {  	_ =	sdelay $0x1  }
0x12d: {  	[sflag:s19] =	ssyncset.done $0x0  }
0x12e: {  	[sflag:s19] =	ssyncadd.s32 $0xFFFFC000  }
0x12f: {  	_ =	sfence.sel $0x180000  }
0x130: {  	[bflag:$0x0] =	sbarrier.arrive $0xFFFF  }
0x131: {  	_ =	strace $0x9000004A  }
0x132: {  	s0 =	stileid.u32;
	[bflag:$0x2] =	sbarrier.arrive $0xFFFF  }
0x133: {  	p0 =	sne.s32 s0, $0x0;
	s0 =	rddreg [dreg:$0x2]  }
0x134: {  	s0 =	sadd.s32 @!p0 $0x100000, s0  }
0x135: {  	[sflag:s0] =	ssyncadd.tile.s32 @!p0 $0x1;
	_ =	shalt  }
.Lfunc_end2:
_tile_overlayer_lowered:
.L_overlay_start_2:
0x136: {  	(tag) =	ssettag $0x2  }
0x137: {  	s0 =	rddreg [dreg:$0x0];
	s2 =	stileid.u32  }
0x138: {  	s1 =	rddreg [dreg:$0x1];
	p0 =	sne.s32 s2, $0x0  }
0x139: {  	s3 =	rddreg [dreg:$0x2];
	[bflag:$0x3] =	sbarrier.arrive $0xFFFF;
	s2 =	simm.s32 @!p0 $0x1C01  }
0x13a: {  	[timem:s3], [sflag:s2] =	dma.local @!p0 [hbm:s0], s1  }
0x13b: {  	s0 =	simm.s32 @!p0 $0x1  }
0x13c: {  	_ =	swait.ge @!p0 [sflag:s0], s1  }
0x13d: {  	s1 =	ssub.s32 @!p0 $0x0, s1;
	[sflag:s0] =	ssyncset.done @!p0 $0x0  }
0x13e: {  	[sflag:s0] =	ssyncadd.s32 @!p0 s1  }
0x13f: {  	[bflag:$0x3] =	sbarrier.arrive $0xFFFF  }
0x140: {  	_ =	shalt  }

// kernel: kernel.13.cloned.1.call-start
scs
__scs_entry_jumppad:
0x0: {  	(pc) =	sbr.rel $0x88, $3  }
0x1: {  	(tag) =	ssettag $0x0;
	lr =	simm.s32 $0x1  }
0x2: {  	[smem:$0x3F99] =	sst lr;
	_ =	strace $0xD0000000  }
0x3: {  	_ = 	snop  }
0x4: {  	_ = 	snop  }
0x5: {  	_ = 	snop  }
0x6: {  	_ = 	snop  }
0x7: {  	_ = 	snop  }
__scs_overlays_trampoline_lowered:
0x8: {  	[smem:$0x3FA8] =	sst s0  }
0x9: {  	[smem:$0x3FA9] =	sst s1  }
0xa: {  	[smem:$0x3FAA] =	sst s2  }
0xb: {  	[smem:$0x3FAB] =	sst s3  }
0xc: {  	[smem:$0x3FAC] =	sst s4  }
0xd: {  	[smem:$0x3FAD] =	sst s5  }
0xe: {  	[smem:$0x3FAE] =	sst s6  }
0xf: {  	[smem:$0x3FAF] =	sst s7  }
0x10: {  	[smem:$0x3FB0] =	sst s8  }
0x11: {  	[smem:$0x3FB1] =	sst s9;
	s0 =	simm.s32 @!p0 $0x0  }
0x12: {  	s1 =	sld [smem:$0x3F97];
	s0 =	simm.s32 @p0 $0x1  }
0x13: {  	[smem:$0x3FB2] =	sst s0;
	s0 =	simm.s32 @!p1 $0x0  }
0x14: {  	s2 =	sld [smem:$0x3F96];
	s0 =	simm.s32 @p1 $0x1  }
0x15: {  	[smem:$0x3FB3] =	sst s0;
	s0 =	simm.s32 @!p2 $0x0  }
0x16: {  	s3 =	sld [smem:$0x3FDB];
	s0 =	simm.s32 @p2 $0x1  }
0x17: {  	s4 =	simm.s32 $0x1BF5;
	[smem:$0x3FB5] =	sst s0  }
0x18: {  	s0 =	sld [smem:$0x3F98];
	_ =	swait.ge [sflag:s4], $0x0  }
0x19: {  	s7 =	sld [smem:$0x3F99]  }
0x1a: {  	s8 =	sadd.s32 $0xFFFFE003, lr  }
0x1b: {  	s9 =	sadd.s32 $0xFFFFFEF7, lr;
	s5 =	simm.s32 $0xFFFFFFFF;
	p2 =	slt.u32 s8, $0xFFFFF086  }
0x1c: {  	p1 =	slt.u32 s9, $0xF7A;
	s5 =	simm.s32 @!p2 $0x0  }
0x1d: {  	s5 =	simm.s32 @p1 $0x1;
	p0 =	seq.s32 s7, s2  }
0x1e: {  	s7 =	smul.u32 @!p0 $0xF7A, s2;
	p2 =	seq.s32 @!p0 s5, $0x0  }
0x1f: {  	s9 =	smul.u32 $0xF7A, s1;
	s8 =	simm.s32 @!p0 $0x1BF5;
	p2 =	por !p2, p0  }
0x20: {  	[sflag:s8] =	ssyncset.s32 @!p0 $0xFFFFF086;
	s6 =	sadd.s32 @!p0 s3, s7;
	s7 =	simm.s32 @!p0 $0x108  }
0x21: {  	s3 =	sadd.s32 s3, s9;
	s6 =	sadd.s32 @!p0 $0x88, s6;
	s7 =	simm.s32 @p2 $0x1082  }
0x22: {  	[simem:s7], [sflag:s8] =	dma.local @!p0 [hbm:s6], $0xF7A  }
0x23: {  	s9 =	sor.u32 $0xD0000000, s2;
	s6 =	simm.s32 $0x108;
	_ =	swait.ge @!p0 [sflag:s8], $0x0  }
0x24: {  	s3 =	sadd.s32 $0x88, s3;
	s6 =	simm.s32 @!p1 $0x1082;
	[sflag:s4] =	ssyncset.s32 $0xFFFFF086  }
0x25: {  	[simem:s6], [sflag:s4] =	dma.local [hbm:s3], $0xF7A  }
0x26: {  	[smem:$0x3F99] =	sst s1;
	(tag) =	ssettag s2;
	_ =	strace s9  }
0x27: {  	s1 =	sld [smem:$0x3FA9]  }
0x28: {  	s2 =	sld [smem:$0x3FAA]  }
0x29: {  	s4 =	sld [smem:$0x3FAC]  }
0x2a: {  	p0 =	seq.s32 s5, $0x0;
	s5 =	sld [smem:$0x3FAD]  }
0x2b: {  	s6 =	sld [smem:$0x3FAE]  }
0x2c: {  	s7 =	sld [smem:$0x3FAF]  }
0x2d: {  	s3 =	simm.s32 $0x108;
	s8 =	sld [smem:$0x3FB0]  }
0x2e: {  	s3 =	simm.s32 @!p0 $0x1082;
	s9 =	sld [smem:$0x3FB1]  }
0x2f: {  	lr =	sadd.s32 s0, s3;
	s0 =	sld [smem:$0x3FA8]  }
0x30: {  	s3 =	sld [smem:$0x3FAB]  }
0x31: {  	[smem:$0x3FB4] =	sst s10  }
0x32: {  	s10 =	sld [smem:$0x3FB2];
	_ =	sdelay $0x3  }
0x33: {  	p0 =	seq.s32 s10, $0x1;
	s10 =	sld [smem:$0x3FB4];
	_ =	sdelay $0x3  }
0x34: {  	[smem:$0x3FB4] =	sst s10  }
0x35: {  	s10 =	sld [smem:$0x3FB3];
	_ =	sdelay $0x3  }
0x36: {  	p1 =	seq.s32 s10, $0x1;
	s10 =	sld [smem:$0x3FB4];
	_ =	sdelay $0x3  }
0x37: {  	[smem:$0x3FB4] =	sst s10  }
0x38: {  	s10 =	sld [smem:$0x3FB5]  }
0x39: {  	_ = 	snop;
	(pc) =	sbr.ind lr, $3  }
0x3a: {  	_ = 	snop  }
0x3b: {  	_ = 	snop  }
0x3c: {  	p2 =	seq.s32 s10, $0x1;
	s10 =	sld [smem:$0x3FB4]  }
0x3d: {  	_ =	shalt  }
0x3e: {  	_ =	shalt  }
0x3f: {  	_ =	shalt  }
0x40: {  	_ =	shalt  }
0x41: {  	_ =	shalt  }
0x42: {  	_ =	shalt  }
0x43: {  	_ =	shalt  }
0x44: {  	_ =	shalt  }
0x45: {  	_ =	shalt  }
0x46: {  	_ =	shalt  }
0x47: {  	_ =	shalt  }
0x48: {  	_ =	shalt  }
0x49: {  	_ =	shalt  }
0x4a: {  	_ =	shalt  }
0x4b: {  	_ =	shalt  }
0x4c: {  	_ =	shalt  }
0x4d: {  	_ =	shalt  }
0x4e: {  	_ =	shalt  }
0x4f: {  	_ =	shalt  }
0x50: {  	_ =	shalt  }
0x51: {  	_ =	shalt  }
0x52: {  	_ =	shalt  }
0x53: {  	_ =	shalt  }
0x54: {  	_ =	shalt  }
0x55: {  	_ =	shalt  }
0x56: {  	_ =	shalt  }
0x57: {  	_ =	shalt  }
0x58: {  	_ =	shalt  }
0x59: {  	_ =	shalt  }
0x5a: {  	_ =	shalt  }
0x5b: {  	_ =	shalt  }
0x5c: {  	_ =	shalt  }
0x5d: {  	_ =	shalt  }
0x5e: {  	_ =	shalt  }
0x5f: {  	_ =	shalt  }
0x60: {  	_ =	shalt  }
0x61: {  	_ =	shalt  }
0x62: {  	_ =	shalt  }
0x63: {  	_ =	shalt  }
0x64: {  	_ =	shalt  }
0x65: {  	_ =	shalt  }
0x66: {  	_ =	shalt  }
0x67: {  	_ =	shalt  }
0x68: {  	_ =	shalt  }
0x69: {  	_ =	shalt  }
0x6a: {  	_ =	shalt  }
0x6b: {  	_ =	shalt  }
0x6c: {  	_ =	shalt  }
0x6d: {  	_ =	shalt  }
0x6e: {  	_ =	shalt  }
0x6f: {  	_ =	shalt  }
0x70: {  	_ =	shalt  }
0x71: {  	_ =	shalt  }
0x72: {  	_ =	shalt  }
0x73: {  	_ =	shalt  }
0x74: {  	_ =	shalt  }
0x75: {  	_ =	shalt  }
0x76: {  	_ =	shalt  }
0x77: {  	_ =	shalt  }
0x78: {  	_ =	shalt  }
0x79: {  	_ =	shalt  }
0x7a: {  	_ =	shalt  }
0x7b: {  	_ =	shalt  }
0x7c: {  	_ =	shalt  }
0x7d: {  	_ =	shalt  }
0x7e: {  	_ =	shalt  }
0x7f: {  	_ =	shalt  }
0x80: {  	_ =	shalt  }
0x81: {  	_ =	shalt  }
0x82: {  	_ =	shalt  }
0x83: {  	_ =	shalt  }
0x84: {  	_ =	shalt  }
0x85: {  	_ =	shalt  }
0x86: {  	_ =	shalt  }
0x87: {  	_ =	shalt  }
.Lfunc_end0:
.L_simem_size_0:
called_computation.1_lowered:
.L_overlay_start_0:
0x88: {  	s2 =	sld [smem:$0x3FD9]  }
0x89: {  	s3 =	sld [smem:$0x3FFE];
	_ =	sdelay $0x1  }
0x8a: {  	s1 =	srdreg.scid  }
0x8b: {  	s0 =	sand.u32 $0x1, s1  }
0x8c: {  	s16 =	sshll.u32 s0, $0xA;
	s2 =	sadd.s32 s3, s2  }
0x8d: {  	s2 =	sadd.s32 s2, s16  }
0x8e: {  	[smem:$0x3FC0] =	sst s2  }
0x8f: {  	_ = 	snop  }
0x90: {  	(tm) =	ssettm $0x1  }
0x91: {  	s17 =	sld [smem:$0x3FFB];
	_ =	sdelay $0x3  }
0x92: {  	_ =	strace s17  }
0x93: {  	s2 =	sld [smem:$0x3FFC];
	_ =	sdelay $0x3  }
0x94: {  	_ =	strace s2  }
0x95: {  	s2 =	sld [smem:$0x3FFD];
	_ =	sdelay $0x3  }
0x96: {  	_ =	strace s2  }
0x97: {  	_ =	strace $0x8FFFFFFF  }
0x98: {  	s18 =	sld [smem:$0x3FDB];
	_ =	sdelay $0x1  }
0x99: {  	s19 =	simm.s32 $_scs_section_size  }
0x9a: {  	s4 =	simm.s32 $_size__tile_overlayer_lowered;
	s5 =	simm.s32 $_tile_overlayer_lowered  }
0x9b: {  	s22 =	simm.s32 $0x1BFF;
	s21 =	sshll.u32 s5, $0x1;
	s2 =	sadd.s32 s19, s18  }
0x9c: {  	s6 =	simm.s32 $0x0;
	s20 =	sshll.u32 s4, $0x1;
	s4 =	sadd.s32 s21, s2  }
0x9d: {  	[timem:s6], [sflag:s22] =	dma.local [hbm:s4], s20  }
0x9e: {  	_ =	swait.ge [sflag:s22], s20  }
0x9f: {  	s3 =	ssub.s32 $0x0, s20;
	[sflag:s22] =	ssyncset.done $0x0  }
0xa0: {  	[sflag:s22] =	ssyncadd.s32 s3;
	_ =	sdelay $0x1  }
0xa1: {  	s23 =	simm.s32 $0x1B8B  }
0xa2: {  	_ =	swait.ge [sflag:s23], $0x1  }
0xa3: {  	[sflag:s23] =	ssyncset.done $0x0  }
0xa4: {  	s25 =	simm.s32 $0x1B8E;
	s24 =	sld [smem:$0x3FFE];
	[sflag:s23] =	ssyncadd.s32 $0xFFFFFFFF  }
0xa5: {  	s26 =	simm.s32 $execute0_lowered;
	[smem:$0x3FD2] =	sst s25  }
0xa6: {  	s4 =	sshll.u32 s26, $0x1;
	_ =	strace $0x80000046;
	[dreg:$0x1] =	wrdreg $0xFFFFFFFF  }
0xa7: {  	s28 =	simm.s32 $_size_execute0_lowered;
	s2 =	sadd.s32 s2, s4;
	[dreg:$0x0] =	wrdreg $0x0  }
0xa8: {  	s4 =	sshll.u32 s28, $0x1;
	[dreg:$0x2] =	wrdreg s2  }
0xa9: {  	[dreg:$0x3] =	wrdreg s4  }
0xaa: {  	[dreg:$0x4] =	wrdreg $0xC0  }
0xab: {  	_ =	task [dreg:s6], $0x5FFFF  }
0xac: {  	[dreg:$0x1] =	wrdreg $0xFFFFFFFF  }
0xad: {  	[dreg:$0x0] =	wrdreg $0x60  }
0xae: {  	[dreg:$0x2] =	wrdreg s24  }
0xaf: {  	[dreg:$0x3] =	wrdreg $0x50000  }
0xb0: {  	[dreg:$0x4] =	wrdreg $0xA  }
0xb1: {  	_ =	task.clear_ibuf [dreg:s6], $0x5FFFF;
	_ =	strace $0x90000046  }
0xb2: {  	s29 =	simm.s32 $0xA;
	_ =	strace $0x80000048  }
0xb3: {  	_ =	swait.ge [sflag:s29], $0x1  }
0xb4: {  	[sflag:s29] =	ssyncadd.s32 $0xFFFFFFFF  }
0xb5: {  	_ =	strace $0x90000048  }
0xb6: {  	_ =	sfence  }
0xb7: {  	s30 =	sld [smem:$0x0];
	_ =	sdelay $0x2  }
0xb8: {  	s31 =	sshll.u32 s1, $0xD;
	s1 =	sshrl.u32 s1, $0x2  }
0xb9: {  	s3 =	sand.u32 $0x4000, s31;
	s1 =	sadd.s32 s1, s30  }
0xba: {  	s0 =	sor.u32 s3, s0;
	s1 =	sshll.u32 s1, $0x11  }
0xbb: {  	s0 =	sor.u32 s1, s0  }
0xbc: {  	s0 =	sadd.s32 $0x8F2B, s0  }
0xbd: {  	[sflag:s0] =	ssyncadd.remote.s32 $0x1  }
0xbe: {  	_ =	sfence.sel $0xFFFF  }
0xbf: {  	[dreg:$0x0] =	wrdreg $0xFFFFFFFF;
	(pc) =	sbr.abs _section_cstart, $3  }
0xc0: {  	[dreg:$0x1] =	wrdreg $0xFFFFFFFF  }
0xc1: {  	_ =	task.clear_ibuf [dreg:s6], $0x2FFFF;
	_ =	strace $0x9FFFFFFF  }
0xc2: {  	(tm) =	ssettm $0x7FFFFFFF  }
0xc3: {  	_ =	shalt  }
tec
execute0_lowered:
.L_overlay_start_1:
0x0: {  	(tag) =	ssettag $0x1  }
0x1: {  	s8 =	rddreg [dreg:$0x0]  }
0x2: {  	s2 =	rddreg [dreg:$0x1]  }
0x3: {  	s0 =	rddreg [dreg:$0x2];
	s3 =	simm.s32 $0x0;
	s4 =	srdreg.scid  }
0x4: {  	s1 =	stileid.u32;
	s20 =	simm.s32 $0x1000;
	s21 =	simm.s32 $0x2  }
0x5: {  	s22 =	simm.s32 $0x800;
	s23 =	simm.s32 $0x80;
	s24 =	simm.s32 $0x1  }
0x6: {  	s25 =	simm.s32 $0x0;
	[smem:$0x7FF] =	sst s3;
	s9 =	smul.u32 $0x280, s1  }
0x7: {  	s7 =	sand.u32 $0x1, s4;
	s4 =	sadd.s32 $0x2200, s8;
	s11 =	smul.u32 $0x50000, s1  }
0x8: {  	s5 =	sadd.s32 $0x64400, s8;
	s6 =	sadd.s32 $0x50400, s8;
	s13 =	smul.u32 $0xA0, s1  }
0x9: {  	_ =	strace $0x80000047;
	s10 =	smul.u32 $0x2800, s7;
	s12 =	ssub.s32 $0x2, s7  }
0xa: {  	s28 =	smul.u32 $0xA00, s7;
	s7 =	sadd.s32 $0x78400, s8;
	s29 =	sshrl.u32 s12, $0x1  }
0xb: {  	s30 =	sshrl.u32 s11, $0x2;
	s9 =	sadd.s32 s9, s10;
	s12 =	ssub.s32 s12, s29  }
0xc: {  	s31 =	sadd.s32 s13, s28;
	s9 =	sshll.u32 s9, $0x4;
	s10 =	smax.u32 s12, $0x1  }
0xd: {  	s19 =	sadd.s32 s9, s8;
	s8 =	sadd.s32 s30, s2;
	s9 =	sshll.u32 s31, $0x4  }
0xe: {  	s11 =	sadd.s32 $0x4000, s8;
	s12 =	sadd.s32 $0x8000, s8;
	s13 =	sadd.s32 $0xC000, s8  }
0xf: {  	s14 =	sadd.s32 $0x10000, s8;
	s15 =	sadd.s32 $0x78C00, s19;
	s16 =	sadd.s32 $0x79400, s19  }
0x10: {  	s17 =	sadd.s32 $0x79C00, s19;
	s18 =	sadd.s32 $0x7A400, s19;
	s19 =	sadd.s32 $0x7AC00, s19  }
.LBB2_1:
0x11: {  	[tilespmem:s20], [sflag:$0x2] =	stream.linear.gather [hbm4b:s7+s3], $0x4000, $0x38;
	[tilespmem:$0x19000] =	vst v63  }
0x12: {  	_ =	swait.ge [sflag:s21], $0x4000  }
0x13: {  	[sflag:s21] =	ssyncset.done $0x0  }
0x14: {  	[sflag:s21] =	ssyncadd.s32 $0xFFFFC000  }
0x15: {  	[spmem:s8] =	stream.linear.scatter [tilespmem:s20], [sflag:$0x2], $0x4000, $0x38;
	[tilespmem:$0x19000] =	vst v63  }
0x16: {  	_ =	swait.ge [sflag:s21], $0x4000  }
0x17: {  	[sflag:s21] =	ssyncset.done $0x0  }
0x18: {  	[sflag:s21] =	ssyncadd.s32 $0xFFFFC000  }
0x19: {  	[spmem:s11] =	stream.linear.scatter [tilespmem:s20], [sflag:$0x2], $0x4000, $0x38;
	[tilespmem:$0x19000] =	vst v63  }
0x1a: {  	_ =	swait.ge [sflag:s21], $0x4000  }
0x1b: {  	[sflag:s21] =	ssyncset.done $0x0  }
0x1c: {  	[sflag:s21] =	ssyncadd.s32 $0xFFFFC000  }
0x1d: {  	[spmem:s12] =	stream.linear.scatter [tilespmem:s20], [sflag:$0x2], $0x4000, $0x38;
	[tilespmem:$0x19000] =	vst v63  }
0x1e: {  	_ =	swait.ge [sflag:s21], $0x4000  }
0x1f: {  	[sflag:s21] =	ssyncset.done $0x0  }
0x20: {  	[sflag:s21] =	ssyncadd.s32 $0xFFFFC000  }
0x21: {  	[spmem:s13] =	stream.linear.scatter [tilespmem:s20], [sflag:$0x2], $0x4000, $0x38;
	[tilespmem:$0x19000] =	vst v63  }
0x22: {  	_ =	swait.ge [sflag:s21], $0x4000  }
0x23: {  	[sflag:s21] =	ssyncset.done $0x0  }
0x24: {  	[sflag:s21] =	ssyncadd.s32 $0xFFFFC000  }
0x25: {  	[spmem:s14] =	stream.linear.scatter [tilespmem:s20], [sflag:$0x2], $0x4000, $0x38;
	[tilespmem:$0x19000] =	vst v63  }
0x26: {  	_ =	swait.ge [sflag:s21], $0x4000  }
0x27: {  	[sflag:s21] =	ssyncset.done $0x0  }
0x28: {  	[sflag:s21] =	ssyncadd.s32 $0xFFFFC000  }
0x29: {  	s26 =	simm.s32 $0x0;
	[bflag:$0x0] =	sbarrier.arrive $0xFFFF  }
.LBB2_2:
0x2a: {  	s28 =	sshll.u32 s26, $0x8  }
0x2b: {  	s28 =	sadd.s32 s9, s28  }
0x2c: {  	s30 =	simm.s32 $0x0;
	s29 =	sadd.s32 s5, s28  }
0x2d: {  	[tilespmem:s30], [sflag:$0x2] =	stream.linear.gather [hbm4b:s29+s30], $0x800, $0x38;
	[tilespmem:$0x19000] =	vst v63  }
0x2e: {  	_ =	swait.ge [sflag:s21], $0x800  }
0x2f: {  	[sflag:s21] =	ssyncset.done $0x0  }
0x30: {  	s28 =	sadd.s32 s6, s28;
	[sflag:s21] =	ssyncadd.s32 $0xFFFFF800  }
0x31: {  	[tilespmem:s22], [sflag:$0x2] =	stream.linear.gather [hbm4b:s28+s30], $0x800, $0x38;
	[tilespmem:$0x19000] =	vst v63  }
0x32: {  	_ =	swait.ge [sflag:s21], $0x800  }
0x33: {  	[sflag:s21] =	ssyncset.done $0x0  }
0x34: {  	s28 =	simm.s32 $0x0;
	[sflag:s21] =	ssyncadd.s32 $0xFFFFF800  }
0x35: {  	[tilespmem:s20], [sflag:$0x1] =	stream.indirect.gather [hbm4b:s4+s23], $0x80, s28, s23, $0xb8;
	[tilespmem:$0x19000] =	vst v63  }
0x36: {  	_ =	swait.ge [sflag:s24], $0x4000  }
0x37: {  	[sflag:s24] =	ssyncset.done $0x0  }
0x38: {  	s28 =	simm.s32 $0x800;
	[sflag:s24] =	ssyncadd.s32 $0xFFFFC000  }
0x39: {  	[spmem:s2] =	stream.indirect.scatter.add.f32 [tilespmem:s20], [sflag:$0x2], $0x80, s28, s23, $0xb8;
	[tilespmem:$0x19000] =	vst v63  }
0x3a: {  	_ =	swait.ge [sflag:s21], $0x4000  }
0x3b: {  	s29 =	simm.s32 $0x400;
	s28 =	simm.s32 $0x200;
	[sflag:s21] =	ssyncset.done $0x0  }
.LBB2_3:
0x3c: {  	s30 =	sshra.s32 s28, $0x2  }
0x3d: {  	[sflag:s21] =	ssyncadd.s32 $0xFFFFC000;
	s28 =	smov.u32 s29;
	s31 =	sadd.s32 $0x200, s29  }
0x3e: {  	[tilespmem:s20], [sflag:$0x1] =	stream.indirect.gather [hbm4b:s4+s23], $0x80, s30, s23, $0xb8;
	[tilespmem:$0x19000] =	vst v63  }
0x3f: {  	p0 =	sne.s32 s29, $0x1E00;
	_ =	swait.ge [sflag:s24], $0x4000  }
.Ltmp0:
0x40: {  	[sflag:s24] =	ssyncset.done $0x0;
	(pc) =	sbr.rel @p0 .LBB2_3-.Ltmp0, $4  }
0x41: {  	s29 =	sadd.s32 $0x800, s30;
	[sflag:s24] =	ssyncadd.s32 $0xFFFFC000  }
0x42: {  	[spmem:s2] =	stream.indirect.scatter.add.f32 [tilespmem:s20], [sflag:$0x2], $0x80, s29, s23, $0xb8;
	[tilespmem:$0x19000] =	vst v63  }
0x43: {  	_ =	swait.ge [sflag:s21], $0x4000  }
0x44: {  	s29 =	smov.u32 s31;
	[sflag:s21] =	ssyncset.done $0x0  }
0x45: {  	s28 =	sshra.s32 s28, $0x2;
	[sflag:s21] =	ssyncadd.s32 $0xFFFFC000  }
0x46: {  	[tilespmem:s20], [sflag:$0x1] =	stream.indirect.gather [hbm4b:s4+s23], $0x80, s28, s23, $0xb8;
	[tilespmem:$0x19000] =	vst v63  }
0x47: {  	s26 =	sadd.s32 $0x1, s26;
	_ =	swait.ge [sflag:s24], $0x4000  }
0x48: {  	p0 =	sne.s32 s26, $0xA;
	[sflag:s24] =	ssyncset.done $0x0  }
.Ltmp1:
0x49: {  	s28 =	sadd.s32 $0x800, s28;
	[sflag:s24] =	ssyncadd.s32 $0xFFFFC000;
	(pc) =	sbr.rel @p0 .LBB2_2-.Ltmp1, $4  }
0x4a: {  	[spmem:s2] =	stream.indirect.scatter.add.f32 [tilespmem:s20], [sflag:$0x2], $0x80, s28, s23, $0xb8;
	[tilespmem:$0x19000] =	vst v63  }
0x4b: {  	_ =	swait.ge [sflag:s21], $0x4000  }
0x4c: {  	[sflag:s21] =	ssyncset.done $0x0  }
0x4d: {  	[sflag:s21] =	ssyncadd.s32 $0xFFFFC000  }
0x4e: {  	[bflag:$0x0] =	sbarrier.arrive $0xFFFF  }
0x4f: {  	[tilespmem:s20], [sflag:$0x2] =	stream.linear.gather [spmem:s8], $0x4000, $0x38;
	[tilespmem:$0x19000] =	vst v63  }
0x50: {  	_ =	swait.ge [sflag:s21], $0x4000  }
0x51: {  	[sflag:s21] =	ssyncset.done $0x0  }
0x52: {  	[sflag:s21] =	ssyncadd.s32 $0xFFFFC000  }
0x53: {  	[hbm4b:s15+s3] =	stream.linear.scatter [tilespmem:s20], [sflag:$0x2], $0x4000, $0x38;
	[tilespmem:$0x19000] =	vst v63  }
0x54: {  	_ =	swait.ge [sflag:s21], $0x4000  }
0x55: {  	[sflag:s21] =	ssyncset.done $0x0  }
0x56: {  	[sflag:s21] =	ssyncadd.s32 $0xFFFFC000  }
0x57: {  	[tilespmem:s20], [sflag:$0x2] =	stream.linear.gather [spmem:s11], $0x4000, $0x38;
	[tilespmem:$0x19000] =	vst v63  }
0x58: {  	_ =	swait.ge [sflag:s21], $0x4000  }
0x59: {  	[sflag:s21] =	ssyncset.done $0x0  }
0x5a: {  	[sflag:s21] =	ssyncadd.s32 $0xFFFFC000  }
0x5b: {  	[hbm4b:s16+s3] =	stream.linear.scatter [tilespmem:s20], [sflag:$0x2], $0x4000, $0x38;
	[tilespmem:$0x19000] =	vst v63  }
0x5c: {  	_ =	swait.ge [sflag:s21], $0x4000  }
0x5d: {  	[sflag:s21] =	ssyncset.done $0x0  }
0x5e: {  	[sflag:s21] =	ssyncadd.s32 $0xFFFFC000  }
0x5f: {  	[tilespmem:s20], [sflag:$0x2] =	stream.linear.gather [spmem:s12], $0x4000, $0x38;
	[tilespmem:$0x19000] =	vst v63  }
0x60: {  	_ =	swait.ge [sflag:s21], $0x4000  }
0x61: {  	[sflag:s21] =	ssyncset.done $0x0  }
0x62: {  	[sflag:s21] =	ssyncadd.s32 $0xFFFFC000  }
0x63: {  	[hbm4b:s17+s3] =	stream.linear.scatter [tilespmem:s20], [sflag:$0x2], $0x4000, $0x38;
	[tilespmem:$0x19000] =	vst v63  }
0x64: {  	_ =	swait.ge [sflag:s21], $0x4000  }
0x65: {  	[sflag:s21] =	ssyncset.done $0x0  }
0x66: {  	[sflag:s21] =	ssyncadd.s32 $0xFFFFC000  }
0x67: {  	[tilespmem:s20], [sflag:$0x2] =	stream.linear.gather [spmem:s13], $0x4000, $0x38;
	[tilespmem:$0x19000] =	vst v63  }
0x68: {  	_ =	swait.ge [sflag:s21], $0x4000  }
0x69: {  	[sflag:s21] =	ssyncset.done $0x0  }
0x6a: {  	[sflag:s21] =	ssyncadd.s32 $0xFFFFC000  }
0x6b: {  	[hbm4b:s18+s3] =	stream.linear.scatter [tilespmem:s20], [sflag:$0x2], $0x4000, $0x38;
	[tilespmem:$0x19000] =	vst v63  }
0x6c: {  	_ =	swait.ge [sflag:s21], $0x4000  }
0x6d: {  	[sflag:s21] =	ssyncset.done $0x0  }
0x6e: {  	[sflag:s21] =	ssyncadd.s32 $0xFFFFC000  }
0x6f: {  	[tilespmem:s20], [sflag:$0x2] =	stream.linear.gather [spmem:s14], $0x4000, $0x38;
	[tilespmem:$0x19000] =	vst v63  }
0x70: {  	s25 =	sadd.s32 $0x1, s25;
	_ =	swait.ge [sflag:s21], $0x4000  }
0x71: {  	p0 =	sne.s32 s25, s10;
	[sflag:s21] =	ssyncset.done $0x0  }
.Ltmp2:
0x72: {  	[sflag:s21] =	ssyncadd.s32 $0xFFFFC000;
	(pc) =	sbr.rel @p0 .LBB2_1-.Ltmp2, $4  }
0x73: {  	[hbm4b:s19+s3] =	stream.linear.scatter [tilespmem:s20], [sflag:$0x2], $0x4000, $0x38;
	[tilespmem:$0x19000] =	vst v63  }
0x74: {  	_ =	swait.ge [sflag:s21], $0x4000  }
0x75: {  	[sflag:s21] =	ssyncset.done $0x0  }
0x76: {  	[sflag:s21] =	ssyncadd.s32 $0xFFFFC000  }
0x77: {  	_ =	sfence.sel $0x180000  }
0x78: {  	[bflag:$0x0] =	sbarrier.arrive $0xFFFF  }
0x79: {  	p0 =	sne.s32 s1, $0x0;
	_ =	strace $0x90000047  }
0x7a: {  	s0 =	sadd.s32 @!p0 $0x100000, s0;
	[bflag:$0x2] =	sbarrier.arrive $0xFFFF  }
0x7b: {  	[sflag:s0] =	ssyncadd.tile.s32 @!p0 $0x1;
	_ =	shalt  }
.Lfunc_end2:
_tile_overlayer_lowered:
.L_overlay_start_2:
0x7c: {  	(tag) =	ssettag $0x2  }
0x7d: {  	s0 =	rddreg [dreg:$0x0];
	s2 =	stileid.u32  }
0x7e: {  	s1 =	rddreg [dreg:$0x1];
	p0 =	sne.s32 s2, $0x0  }
0x7f: {  	s3 =	rddreg [dreg:$0x2];
	[bflag:$0x3] =	sbarrier.arrive $0xFFFF;
	s2 =	simm.s32 @!p0 $0x1C02  }
0x80: {  	[timem:s3], [sflag:s2] =	dma.local @!p0 [hbm:s0], s1  }
0x81: {  	s0 =	simm.s32 @!p0 $0x2  }
0x82: {  	_ =	swait.ge @!p0 [sflag:s0], s1  }
0x83: {  	s1 =	ssub.s32 @!p0 $0x0, s1;
	[sflag:s0] =	ssyncset.done @!p0 $0x0  }
0x84: {  	[sflag:s0] =	ssyncadd.s32 @!p0 s1  }
0x85: {  	[bflag:$0x3] =	sbarrier.arrive $0xFFFF  }
0x86: {  	_ =	shalt  }

// kernel: kernel.16.cloned.1.call-start
scs
__scs_entry_jumppad:
0x0: {  	(pc) =	sbr.rel $0x88, $3  }
0x1: {  	(tag) =	ssettag $0x0;
	lr =	simm.s32 $0x1  }
0x2: {  	[smem:$0x3F99] =	sst lr;
	_ =	strace $0xD0000000  }
0x3: {  	_ = 	snop  }
0x4: {  	_ = 	snop  }
0x5: {  	_ = 	snop  }
0x6: {  	_ = 	snop  }
0x7: {  	_ = 	snop  }
__scs_overlays_trampoline_lowered:
0x8: {  	[smem:$0x3FA8] =	sst s0  }
0x9: {  	[smem:$0x3FA9] =	sst s1  }
0xa: {  	[smem:$0x3FAA] =	sst s2  }
0xb: {  	[smem:$0x3FAB] =	sst s3  }
0xc: {  	[smem:$0x3FAC] =	sst s4  }
0xd: {  	[smem:$0x3FAD] =	sst s5  }
0xe: {  	[smem:$0x3FAE] =	sst s6  }
0xf: {  	[smem:$0x3FAF] =	sst s7  }
0x10: {  	[smem:$0x3FB0] =	sst s8  }
0x11: {  	[smem:$0x3FB1] =	sst s9;
	s0 =	simm.s32 @!p0 $0x0  }
0x12: {  	s1 =	sld [smem:$0x3F97];
	s0 =	simm.s32 @p0 $0x1  }
0x13: {  	[smem:$0x3FB2] =	sst s0;
	s0 =	simm.s32 @!p1 $0x0  }
0x14: {  	s2 =	sld [smem:$0x3F96];
	s0 =	simm.s32 @p1 $0x1  }
0x15: {  	[smem:$0x3FB3] =	sst s0;
	s0 =	simm.s32 @!p2 $0x0  }
0x16: {  	s3 =	sld [smem:$0x3FDB];
	s0 =	simm.s32 @p2 $0x1  }
0x17: {  	s4 =	simm.s32 $0x1BF5;
	[smem:$0x3FB5] =	sst s0  }
0x18: {  	s0 =	sld [smem:$0x3F98];
	_ =	swait.ge [sflag:s4], $0x0  }
0x19: {  	s7 =	sld [smem:$0x3F99]  }
0x1a: {  	s8 =	sadd.s32 $0xFFFFE003, lr  }
0x1b: {  	s9 =	sadd.s32 $0xFFFFFEF7, lr;
	s5 =	simm.s32 $0xFFFFFFFF;
	p2 =	slt.u32 s8, $0xFFFFF086  }
0x1c: {  	p1 =	slt.u32 s9, $0xF7A;
	s5 =	simm.s32 @!p2 $0x0  }
0x1d: {  	s5 =	simm.s32 @p1 $0x1;
	p0 =	seq.s32 s7, s2  }
0x1e: {  	s7 =	smul.u32 @!p0 $0xF7A, s2;
	p2 =	seq.s32 @!p0 s5, $0x0  }
0x1f: {  	s9 =	smul.u32 $0xF7A, s1;
	s8 =	simm.s32 @!p0 $0x1BF5;
	p2 =	por !p2, p0  }
0x20: {  	[sflag:s8] =	ssyncset.s32 @!p0 $0xFFFFF086;
	s6 =	sadd.s32 @!p0 s3, s7;
	s7 =	simm.s32 @!p0 $0x108  }
0x21: {  	s3 =	sadd.s32 s3, s9;
	s6 =	sadd.s32 @!p0 $0x88, s6;
	s7 =	simm.s32 @p2 $0x1082  }
0x22: {  	[simem:s7], [sflag:s8] =	dma.local @!p0 [hbm:s6], $0xF7A  }
0x23: {  	s9 =	sor.u32 $0xD0000000, s2;
	s6 =	simm.s32 $0x108;
	_ =	swait.ge @!p0 [sflag:s8], $0x0  }
0x24: {  	s3 =	sadd.s32 $0x88, s3;
	s6 =	simm.s32 @!p1 $0x1082;
	[sflag:s4] =	ssyncset.s32 $0xFFFFF086  }
0x25: {  	[simem:s6], [sflag:s4] =	dma.local [hbm:s3], $0xF7A  }
0x26: {  	[smem:$0x3F99] =	sst s1;
	(tag) =	ssettag s2;
	_ =	strace s9  }
0x27: {  	s1 =	sld [smem:$0x3FA9]  }
0x28: {  	s2 =	sld [smem:$0x3FAA]  }
0x29: {  	s4 =	sld [smem:$0x3FAC]  }
0x2a: {  	p0 =	seq.s32 s5, $0x0;
	s5 =	sld [smem:$0x3FAD]  }
0x2b: {  	s6 =	sld [smem:$0x3FAE]  }
0x2c: {  	s7 =	sld [smem:$0x3FAF]  }
0x2d: {  	s3 =	simm.s32 $0x108;
	s8 =	sld [smem:$0x3FB0]  }
0x2e: {  	s3 =	simm.s32 @!p0 $0x1082;
	s9 =	sld [smem:$0x3FB1]  }
0x2f: {  	lr =	sadd.s32 s0, s3;
	s0 =	sld [smem:$0x3FA8]  }
0x30: {  	s3 =	sld [smem:$0x3FAB]  }
0x31: {  	[smem:$0x3FB4] =	sst s10  }
0x32: {  	s10 =	sld [smem:$0x3FB2];
	_ =	sdelay $0x3  }
0x33: {  	p0 =	seq.s32 s10, $0x1;
	s10 =	sld [smem:$0x3FB4];
	_ =	sdelay $0x3  }
0x34: {  	[smem:$0x3FB4] =	sst s10  }
0x35: {  	s10 =	sld [smem:$0x3FB3];
	_ =	sdelay $0x3  }
0x36: {  	p1 =	seq.s32 s10, $0x1;
	s10 =	sld [smem:$0x3FB4];
	_ =	sdelay $0x3  }
0x37: {  	[smem:$0x3FB4] =	sst s10  }
0x38: {  	s10 =	sld [smem:$0x3FB5]  }
0x39: {  	_ = 	snop;
	(pc) =	sbr.ind lr, $3  }
0x3a: {  	_ = 	snop  }
0x3b: {  	_ = 	snop  }
0x3c: {  	p2 =	seq.s32 s10, $0x1;
	s10 =	sld [smem:$0x3FB4]  }
0x3d: {  	_ =	shalt  }
0x3e: {  	_ =	shalt  }
0x3f: {  	_ =	shalt  }
0x40: {  	_ =	shalt  }
0x41: {  	_ =	shalt  }
0x42: {  	_ =	shalt  }
0x43: {  	_ =	shalt  }
0x44: {  	_ =	shalt  }
0x45: {  	_ =	shalt  }
0x46: {  	_ =	shalt  }
0x47: {  	_ =	shalt  }
0x48: {  	_ =	shalt  }
0x49: {  	_ =	shalt  }
0x4a: {  	_ =	shalt  }
0x4b: {  	_ =	shalt  }
0x4c: {  	_ =	shalt  }
0x4d: {  	_ =	shalt  }
0x4e: {  	_ =	shalt  }
0x4f: {  	_ =	shalt  }
0x50: {  	_ =	shalt  }
0x51: {  	_ =	shalt  }
0x52: {  	_ =	shalt  }
0x53: {  	_ =	shalt  }
0x54: {  	_ =	shalt  }
0x55: {  	_ =	shalt  }
0x56: {  	_ =	shalt  }
0x57: {  	_ =	shalt  }
0x58: {  	_ =	shalt  }
0x59: {  	_ =	shalt  }
0x5a: {  	_ =	shalt  }
0x5b: {  	_ =	shalt  }
0x5c: {  	_ =	shalt  }
0x5d: {  	_ =	shalt  }
0x5e: {  	_ =	shalt  }
0x5f: {  	_ =	shalt  }
0x60: {  	_ =	shalt  }
0x61: {  	_ =	shalt  }
0x62: {  	_ =	shalt  }
0x63: {  	_ =	shalt  }
0x64: {  	_ =	shalt  }
0x65: {  	_ =	shalt  }
0x66: {  	_ =	shalt  }
0x67: {  	_ =	shalt  }
0x68: {  	_ =	shalt  }
0x69: {  	_ =	shalt  }
0x6a: {  	_ =	shalt  }
0x6b: {  	_ =	shalt  }
0x6c: {  	_ =	shalt  }
0x6d: {  	_ =	shalt  }
0x6e: {  	_ =	shalt  }
0x6f: {  	_ =	shalt  }
0x70: {  	_ =	shalt  }
0x71: {  	_ =	shalt  }
0x72: {  	_ =	shalt  }
0x73: {  	_ =	shalt  }
0x74: {  	_ =	shalt  }
0x75: {  	_ =	shalt  }
0x76: {  	_ =	shalt  }
0x77: {  	_ =	shalt  }
0x78: {  	_ =	shalt  }
0x79: {  	_ =	shalt  }
0x7a: {  	_ =	shalt  }
0x7b: {  	_ =	shalt  }
0x7c: {  	_ =	shalt  }
0x7d: {  	_ =	shalt  }
0x7e: {  	_ =	shalt  }
0x7f: {  	_ =	shalt  }
0x80: {  	_ =	shalt  }
0x81: {  	_ =	shalt  }
0x82: {  	_ =	shalt  }
0x83: {  	_ =	shalt  }
0x84: {  	_ =	shalt  }
0x85: {  	_ =	shalt  }
0x86: {  	_ =	shalt  }
0x87: {  	_ =	shalt  }
.Lfunc_end0:
.L_simem_size_0:
called_computation.2_lowered:
.L_overlay_start_0:
0x88: {  	s2 =	sld [smem:$0x3FD9]  }
0x89: {  	s3 =	sld [smem:$0x3FFE];
	_ =	sdelay $0x1  }
0x8a: {  	s1 =	srdreg.scid  }
0x8b: {  	s0 =	sand.u32 $0x1, s1  }
0x8c: {  	s16 =	sshll.u32 s0, $0xA;
	s2 =	sadd.s32 s3, s2  }
0x8d: {  	s2 =	sadd.s32 s2, s16  }
0x8e: {  	[smem:$0x3FC0] =	sst s2  }
0x8f: {  	_ = 	snop  }
0x90: {  	(tm) =	ssettm $0x1  }
0x91: {  	s17 =	sld [smem:$0x3FFB];
	_ =	sdelay $0x3  }
0x92: {  	_ =	strace s17  }
0x93: {  	s2 =	sld [smem:$0x3FFC];
	_ =	sdelay $0x3  }
0x94: {  	_ =	strace s2  }
0x95: {  	s2 =	sld [smem:$0x3FFD];
	_ =	sdelay $0x3  }
0x96: {  	_ =	strace s2  }
0x97: {  	_ =	strace $0x8FFFFFFF  }
0x98: {  	s18 =	sld [smem:$0x3FDB];
	_ =	sdelay $0x1  }
0x99: {  	s19 =	simm.s32 $_scs_section_size  }
0x9a: {  	s4 =	simm.s32 $_size__tile_overlayer_lowered;
	s5 =	simm.s32 $_tile_overlayer_lowered  }
0x9b: {  	s22 =	simm.s32 $0x1BFF;
	s21 =	sshll.u32 s5, $0x1;
	s2 =	sadd.s32 s19, s18  }
0x9c: {  	s6 =	simm.s32 $0x0;
	s20 =	sshll.u32 s4, $0x1;
	s4 =	sadd.s32 s21, s2  }
0x9d: {  	[timem:s6], [sflag:s22] =	dma.local [hbm:s4], s20  }
0x9e: {  	_ =	swait.ge [sflag:s22], s20  }
0x9f: {  	s3 =	ssub.s32 $0x0, s20;
	[sflag:s22] =	ssyncset.done $0x0  }
0xa0: {  	[sflag:s22] =	ssyncadd.s32 s3;
	_ =	sdelay $0x1  }
0xa1: {  	s23 =	simm.s32 $0x1B8B  }
0xa2: {  	_ =	swait.ge [sflag:s23], $0x1  }
0xa3: {  	[sflag:s23] =	ssyncset.done $0x0  }
0xa4: {  	s25 =	simm.s32 $0x1B8E;
	s24 =	sld [smem:$0x3FFE];
	[sflag:s23] =	ssyncadd.s32 $0xFFFFFFFF  }
0xa5: {  	s26 =	simm.s32 $execute0_lowered;
	[smem:$0x3FD2] =	sst s25  }
0xa6: {  	s4 =	sshll.u32 s26, $0x1;
	_ =	strace $0x8000004C;
	[dreg:$0x1] =	wrdreg $0xFFFFFFFF  }
0xa7: {  	s28 =	simm.s32 $_size_execute0_lowered;
	s2 =	sadd.s32 s2, s4;
	[dreg:$0x0] =	wrdreg $0x0  }
0xa8: {  	s4 =	sshll.u32 s28, $0x1;
	[dreg:$0x2] =	wrdreg s2  }
0xa9: {  	[dreg:$0x3] =	wrdreg s4  }
0xaa: {  	[dreg:$0x4] =	wrdreg $0xC0  }
0xab: {  	_ =	task [dreg:s6], $0x5FFFF  }
0xac: {  	[dreg:$0x1] =	wrdreg $0xFFFFFFFF  }
0xad: {  	[dreg:$0x0] =	wrdreg $0x60  }
0xae: {  	[dreg:$0x2] =	wrdreg s24  }
0xaf: {  	[dreg:$0x3] =	wrdreg $0x50000  }
0xb0: {  	[dreg:$0x4] =	wrdreg $0x9  }
0xb1: {  	_ =	task.clear_ibuf [dreg:s6], $0x5FFFF;
	_ =	strace $0x9000004C  }
0xb2: {  	s29 =	simm.s32 $0x9;
	_ =	strace $0x8000004E  }
0xb3: {  	_ =	swait.ge [sflag:s29], $0x1  }
0xb4: {  	[sflag:s29] =	ssyncadd.s32 $0xFFFFFFFF  }
0xb5: {  	_ =	strace $0x9000004E  }
0xb6: {  	_ =	sfence  }
0xb7: {  	s30 =	sld [smem:$0x0];
	_ =	sdelay $0x2  }
0xb8: {  	s31 =	sshll.u32 s1, $0xD;
	s1 =	sshrl.u32 s1, $0x2  }
0xb9: {  	s3 =	sand.u32 $0x4000, s31;
	s1 =	sadd.s32 s1, s30  }
0xba: {  	s0 =	sor.u32 s3, s0;
	s1 =	sshll.u32 s1, $0x11  }
0xbb: {  	s0 =	sor.u32 s1, s0  }
0xbc: {  	s0 =	sadd.s32 $0x8F2B, s0  }
0xbd: {  	[sflag:s0] =	ssyncadd.remote.s32 $0x1  }
0xbe: {  	_ =	sfence.sel $0xFFFF  }
0xbf: {  	[dreg:$0x0] =	wrdreg $0xFFFFFFFF;
	(pc) =	sbr.abs _section_cstart, $3  }
0xc0: {  	[dreg:$0x1] =	wrdreg $0xFFFFFFFF  }
0xc1: {  	_ =	task.clear_ibuf [dreg:s6], $0x2FFFF;
	_ =	strace $0x9FFFFFFF  }
0xc2: {  	(tm) =	ssettm $0x7FFFFFFF  }
0xc3: {  	_ =	shalt  }
tec
execute0_lowered:
.L_overlay_start_1:
0x0: {  	(tag) =	ssettag $0x1  }
0x1: {  	s8 =	rddreg [dreg:$0x0]  }
0x2: {  	s2 =	rddreg [dreg:$0x1]  }
0x3: {  	s0 =	rddreg [dreg:$0x2];
	s3 =	simm.s32 $0x0;
	s4 =	srdreg.scid  }
0x4: {  	s1 =	stileid.u32;
	s20 =	simm.s32 $0x1000;
	s21 =	simm.s32 $0x2  }
0x5: {  	s22 =	simm.s32 $0x800;
	s23 =	simm.s32 $0x80;
	s24 =	simm.s32 $0x1  }
0x6: {  	s25 =	simm.s32 $0x0;
	[smem:$0x7FF] =	sst s3;
	s10 =	smul.u32 $0x280, s1  }
0x7: {  	s9 =	sand.u32 $0x1, s4;
	s4 =	sadd.s32 $0x78C00, s8;
	s31 =	smul.u32 $0x50000, s1  }
0x8: {  	s5 =	sadd.s32 $0x64400, s8;
	s6 =	sadd.s32 $0x50400, s8;
	s11 =	smul.u32 $0x2800, s9  }
0x9: {  	s7 =	sadd.s32 $0x78400, s8;
	s14 =	smul.u32 $0xA0, s1;
	_ =	strace $0x8000004D  }
0xa: {  	s12 =	ssub.s32 $0x2, s9;
	s9 =	smul.u32 $0xA00, s9;
	s10 =	sadd.s32 s10, s11  }
0xb: {  	s13 =	sshrl.u32 s12, $0x1;
	s11 =	sshrl.u32 s31, $0x2;
	s10 =	sshll.u32 s10, $0x4  }
0xc: {  	s17 =	ssub.s32 s12, s13;
	s19 =	sadd.s32 s10, s8;
	s8 =	sadd.s32 s11, s2  }
0xd: {  	s14 =	sadd.s32 s14, s9;
	s9 =	sadd.s32 $0x4000, s8;
	s10 =	sadd.s32 $0x8000, s8  }
0xe: {  	s11 =	sadd.s32 $0xC000, s8;
	s12 =	sadd.s32 $0x10000, s8;
	s13 =	sadd.s32 $0x119400, s19  }
0xf: {  	s14 =	sshll.u32 s14, $0x4;
	s15 =	sadd.s32 $0x119C00, s19;
	s16 =	sadd.s32 $0x11A400, s19  }
0x10: {  	s17 =	smax.u32 s17, $0x1;
	s18 =	sadd.s32 $0x11AC00, s19;
	s19 =	sadd.s32 $0x11B400, s19  }
.LBB2_1:
0x11: {  	[tilespmem:s20], [sflag:$0x2] =	stream.linear.gather [hbm4b:s7+s3], $0x4000, $0x38;
	[tilespmem:$0x19000] =	vst v63  }
0x12: {  	_ =	swait.ge [sflag:s21], $0x4000  }
0x13: {  	[sflag:s21] =	ssyncset.done $0x0  }
0x14: {  	[sflag:s21] =	ssyncadd.s32 $0xFFFFC000  }
0x15: {  	[spmem:s8] =	stream.linear.scatter [tilespmem:s20], [sflag:$0x2], $0x4000, $0x38;
	[tilespmem:$0x19000] =	vst v63  }
0x16: {  	_ =	swait.ge [sflag:s21], $0x4000  }
0x17: {  	[sflag:s21] =	ssyncset.done $0x0  }
0x18: {  	[sflag:s21] =	ssyncadd.s32 $0xFFFFC000  }
0x19: {  	[spmem:s9] =	stream.linear.scatter [tilespmem:s20], [sflag:$0x2], $0x4000, $0x38;
	[tilespmem:$0x19000] =	vst v63  }
0x1a: {  	_ =	swait.ge [sflag:s21], $0x4000  }
0x1b: {  	[sflag:s21] =	ssyncset.done $0x0  }
0x1c: {  	[sflag:s21] =	ssyncadd.s32 $0xFFFFC000  }
0x1d: {  	[spmem:s10] =	stream.linear.scatter [tilespmem:s20], [sflag:$0x2], $0x4000, $0x38;
	[tilespmem:$0x19000] =	vst v63  }
0x1e: {  	_ =	swait.ge [sflag:s21], $0x4000  }
0x1f: {  	[sflag:s21] =	ssyncset.done $0x0  }
0x20: {  	[sflag:s21] =	ssyncadd.s32 $0xFFFFC000  }
0x21: {  	[spmem:s11] =	stream.linear.scatter [tilespmem:s20], [sflag:$0x2], $0x4000, $0x38;
	[tilespmem:$0x19000] =	vst v63  }
0x22: {  	_ =	swait.ge [sflag:s21], $0x4000  }
0x23: {  	[sflag:s21] =	ssyncset.done $0x0  }
0x24: {  	[sflag:s21] =	ssyncadd.s32 $0xFFFFC000  }
0x25: {  	[spmem:s12] =	stream.linear.scatter [tilespmem:s20], [sflag:$0x2], $0x4000, $0x38;
	[tilespmem:$0x19000] =	vst v63  }
0x26: {  	_ =	swait.ge [sflag:s21], $0x4000  }
0x27: {  	[sflag:s21] =	ssyncset.done $0x0  }
0x28: {  	[sflag:s21] =	ssyncadd.s32 $0xFFFFC000  }
0x29: {  	s26 =	simm.s32 $0x0;
	[bflag:$0x0] =	sbarrier.arrive $0xFFFF  }
.LBB2_2:
0x2a: {  	s28 =	sshll.u32 s26, $0x8  }
0x2b: {  	s28 =	sadd.s32 s14, s28  }
0x2c: {  	s30 =	simm.s32 $0x0;
	s29 =	sadd.s32 s5, s28  }
0x2d: {  	[tilespmem:s30], [sflag:$0x2] =	stream.linear.gather [hbm4b:s29+s30], $0x800, $0x38;
	[tilespmem:$0x19000] =	vst v63  }
0x2e: {  	_ =	swait.ge [sflag:s21], $0x800  }
0x2f: {  	[sflag:s21] =	ssyncset.done $0x0  }
0x30: {  	s28 =	sadd.s32 s6, s28;
	[sflag:s21] =	ssyncadd.s32 $0xFFFFF800  }
0x31: {  	[tilespmem:s22], [sflag:$0x2] =	stream.linear.gather [hbm4b:s28+s30], $0x800, $0x38;
	[tilespmem:$0x19000] =	vst v63  }
0x32: {  	_ =	swait.ge [sflag:s21], $0x800  }
0x33: {  	[sflag:s21] =	ssyncset.done $0x0  }
0x34: {  	s28 =	simm.s32 $0x0;
	[sflag:s21] =	ssyncadd.s32 $0xFFFFF800  }
0x35: {  	[tilespmem:s20], [sflag:$0x1] =	stream.indirect.gather [hbm4b:s4+s23], $0x80, s28, s23, $0xb8;
	[tilespmem:$0x19000] =	vst v63  }
0x36: {  	_ =	swait.ge [sflag:s24], $0x4000  }
0x37: {  	[sflag:s24] =	ssyncset.done $0x0  }
0x38: {  	s28 =	simm.s32 $0x800;
	[sflag:s24] =	ssyncadd.s32 $0xFFFFC000  }
0x39: {  	[spmem:s2] =	stream.indirect.scatter.add.f32 [tilespmem:s20], [sflag:$0x2], $0x80, s28, s23, $0xb8;
	[tilespmem:$0x19000] =	vst v63  }
0x3a: {  	_ =	swait.ge [sflag:s21], $0x4000  }
0x3b: {  	s29 =	simm.s32 $0x400;
	s28 =	simm.s32 $0x200;
	[sflag:s21] =	ssyncset.done $0x0  }
.LBB2_3:
0x3c: {  	s30 =	sshra.s32 s28, $0x2  }
0x3d: {  	[sflag:s21] =	ssyncadd.s32 $0xFFFFC000;
	s28 =	smov.u32 s29;
	s31 =	sadd.s32 $0x200, s29  }
0x3e: {  	[tilespmem:s20], [sflag:$0x1] =	stream.indirect.gather [hbm4b:s4+s23], $0x80, s30, s23, $0xb8;
	[tilespmem:$0x19000] =	vst v63  }
0x3f: {  	p0 =	sne.s32 s29, $0x1E00;
	_ =	swait.ge [sflag:s24], $0x4000  }
.Ltmp0:
0x40: {  	[sflag:s24] =	ssyncset.done $0x0;
	(pc) =	sbr.rel @p0 .LBB2_3-.Ltmp0, $4  }
0x41: {  	s29 =	sadd.s32 $0x800, s30;
	[sflag:s24] =	ssyncadd.s32 $0xFFFFC000  }
0x42: {  	[spmem:s2] =	stream.indirect.scatter.add.f32 [tilespmem:s20], [sflag:$0x2], $0x80, s29, s23, $0xb8;
	[tilespmem:$0x19000] =	vst v63  }
0x43: {  	_ =	swait.ge [sflag:s21], $0x4000  }
0x44: {  	s29 =	smov.u32 s31;
	[sflag:s21] =	ssyncset.done $0x0  }
0x45: {  	s28 =	sshra.s32 s28, $0x2;
	[sflag:s21] =	ssyncadd.s32 $0xFFFFC000  }
0x46: {  	[tilespmem:s20], [sflag:$0x1] =	stream.indirect.gather [hbm4b:s4+s23], $0x80, s28, s23, $0xb8;
	[tilespmem:$0x19000] =	vst v63  }
0x47: {  	s26 =	sadd.s32 $0x1, s26;
	_ =	swait.ge [sflag:s24], $0x4000  }
0x48: {  	p0 =	sne.s32 s26, $0xA;
	[sflag:s24] =	ssyncset.done $0x0  }
.Ltmp1:
0x49: {  	s28 =	sadd.s32 $0x800, s28;
	[sflag:s24] =	ssyncadd.s32 $0xFFFFC000;
	(pc) =	sbr.rel @p0 .LBB2_2-.Ltmp1, $4  }
0x4a: {  	[spmem:s2] =	stream.indirect.scatter.add.f32 [tilespmem:s20], [sflag:$0x2], $0x80, s28, s23, $0xb8;
	[tilespmem:$0x19000] =	vst v63  }
0x4b: {  	_ =	swait.ge [sflag:s21], $0x4000  }
0x4c: {  	[sflag:s21] =	ssyncset.done $0x0  }
0x4d: {  	[sflag:s21] =	ssyncadd.s32 $0xFFFFC000  }
0x4e: {  	[bflag:$0x0] =	sbarrier.arrive $0xFFFF  }
0x4f: {  	[tilespmem:s20], [sflag:$0x2] =	stream.linear.gather [spmem:s8], $0x4000, $0x38;
	[tilespmem:$0x19000] =	vst v63  }
0x50: {  	_ =	swait.ge [sflag:s21], $0x4000  }
0x51: {  	[sflag:s21] =	ssyncset.done $0x0  }
0x52: {  	[sflag:s21] =	ssyncadd.s32 $0xFFFFC000  }
0x53: {  	[hbm4b:s13+s3] =	stream.linear.scatter [tilespmem:s20], [sflag:$0x2], $0x4000, $0x38;
	[tilespmem:$0x19000] =	vst v63  }
0x54: {  	_ =	swait.ge [sflag:s21], $0x4000  }
0x55: {  	[sflag:s21] =	ssyncset.done $0x0  }
0x56: {  	[sflag:s21] =	ssyncadd.s32 $0xFFFFC000  }
0x57: {  	[tilespmem:s20], [sflag:$0x2] =	stream.linear.gather [spmem:s9], $0x4000, $0x38;
	[tilespmem:$0x19000] =	vst v63  }
0x58: {  	_ =	swait.ge [sflag:s21], $0x4000  }
0x59: {  	[sflag:s21] =	ssyncset.done $0x0  }
0x5a: {  	[sflag:s21] =	ssyncadd.s32 $0xFFFFC000  }
0x5b: {  	[hbm4b:s15+s3] =	stream.linear.scatter [tilespmem:s20], [sflag:$0x2], $0x4000, $0x38;
	[tilespmem:$0x19000] =	vst v63  }
0x5c: {  	_ =	swait.ge [sflag:s21], $0x4000  }
0x5d: {  	[sflag:s21] =	ssyncset.done $0x0  }
0x5e: {  	[sflag:s21] =	ssyncadd.s32 $0xFFFFC000  }
0x5f: {  	[tilespmem:s20], [sflag:$0x2] =	stream.linear.gather [spmem:s10], $0x4000, $0x38;
	[tilespmem:$0x19000] =	vst v63  }
0x60: {  	_ =	swait.ge [sflag:s21], $0x4000  }
0x61: {  	[sflag:s21] =	ssyncset.done $0x0  }
0x62: {  	[sflag:s21] =	ssyncadd.s32 $0xFFFFC000  }
0x63: {  	[hbm4b:s16+s3] =	stream.linear.scatter [tilespmem:s20], [sflag:$0x2], $0x4000, $0x38;
	[tilespmem:$0x19000] =	vst v63  }
0x64: {  	_ =	swait.ge [sflag:s21], $0x4000  }
0x65: {  	[sflag:s21] =	ssyncset.done $0x0  }
0x66: {  	[sflag:s21] =	ssyncadd.s32 $0xFFFFC000  }
0x67: {  	[tilespmem:s20], [sflag:$0x2] =	stream.linear.gather [spmem:s11], $0x4000, $0x38;
	[tilespmem:$0x19000] =	vst v63  }
0x68: {  	_ =	swait.ge [sflag:s21], $0x4000  }
0x69: {  	[sflag:s21] =	ssyncset.done $0x0  }
0x6a: {  	[sflag:s21] =	ssyncadd.s32 $0xFFFFC000  }
0x6b: {  	[hbm4b:s18+s3] =	stream.linear.scatter [tilespmem:s20], [sflag:$0x2], $0x4000, $0x38;
	[tilespmem:$0x19000] =	vst v63  }
0x6c: {  	_ =	swait.ge [sflag:s21], $0x4000  }
0x6d: {  	[sflag:s21] =	ssyncset.done $0x0  }
0x6e: {  	[sflag:s21] =	ssyncadd.s32 $0xFFFFC000  }
0x6f: {  	[tilespmem:s20], [sflag:$0x2] =	stream.linear.gather [spmem:s12], $0x4000, $0x38;
	[tilespmem:$0x19000] =	vst v63  }
0x70: {  	s25 =	sadd.s32 $0x1, s25;
	_ =	swait.ge [sflag:s21], $0x4000  }
0x71: {  	p0 =	sne.s32 s25, s17;
	[sflag:s21] =	ssyncset.done $0x0  }
.Ltmp2:
0x72: {  	[sflag:s21] =	ssyncadd.s32 $0xFFFFC000;
	(pc) =	sbr.rel @p0 .LBB2_1-.Ltmp2, $4  }
0x73: {  	[hbm4b:s19+s3] =	stream.linear.scatter [tilespmem:s20], [sflag:$0x2], $0x4000, $0x38;
	[tilespmem:$0x19000] =	vst v63  }
0x74: {  	_ =	swait.ge [sflag:s21], $0x4000  }
0x75: {  	[sflag:s21] =	ssyncset.done $0x0  }
0x76: {  	[sflag:s21] =	ssyncadd.s32 $0xFFFFC000  }
0x77: {  	_ =	sfence.sel $0x180000  }
0x78: {  	[bflag:$0x0] =	sbarrier.arrive $0xFFFF  }
0x79: {  	p0 =	sne.s32 s1, $0x0;
	_ =	strace $0x9000004D  }
0x7a: {  	s0 =	sadd.s32 @!p0 $0x100000, s0;
	[bflag:$0x2] =	sbarrier.arrive $0xFFFF  }
0x7b: {  	[sflag:s0] =	ssyncadd.tile.s32 @!p0 $0x1;
	_ =	shalt  }
.Lfunc_end2:
_tile_overlayer_lowered:
.L_overlay_start_2:
0x7c: {  	(tag) =	ssettag $0x2  }
0x7d: {  	s0 =	rddreg [dreg:$0x0];
	s2 =	stileid.u32  }
0x7e: {  	s1 =	rddreg [dreg:$0x1];
	p0 =	sne.s32 s2, $0x0  }
0x7f: {  	s3 =	rddreg [dreg:$0x2];
	[bflag:$0x3] =	sbarrier.arrive $0xFFFF;
	s2 =	simm.s32 @!p0 $0x1C02  }
0x80: {  	[timem:s3], [sflag:s2] =	dma.local @!p0 [hbm:s0], s1  }
0x81: {  	s0 =	simm.s32 @!p0 $0x2  }
0x82: {  	_ =	swait.ge @!p0 [sflag:s0], s1  }
0x83: {  	s1 =	ssub.s32 @!p0 $0x0, s1;
	[sflag:s0] =	ssyncset.done @!p0 $0x0  }
0x84: {  	[sflag:s0] =	ssyncadd.s32 @!p0 s1  }
0x85: {  	[bflag:$0x3] =	sbarrier.arrive $0xFFFF  }
0x86: {  	_ =	shalt  }

</sc_bundles>
